<compile_context>
chip_gen: v7x
topology: tpu7x:2x2x1
jax: 0.10.2.dev20260603
libtpu: 0.0.44.dev20260713+nightly
codegen_flags: <defaults>
</compile_context>

<pallas_src>
import functools

import jax
import jax.numpy as jnp
from jax import lax
from jax.experimental import pallas as pl
from jax.experimental.pallas import tpu as pltpu
from jax.experimental.pallas import tpu_sc as plsc

_K = 16


def _fps_body(pts_ref, cols_ref, samp_ref, p2_ref, dist_ref):
    b, d, r, l = pts_ref.shape
    n_points = samp_ref.shape[1]
    i32 = jnp.int32
    iota_np = lax.broadcasted_iota(i32, (b, n_points), 1)
    iota_np3 = lax.broadcasted_iota(i32, (1, 1, n_points), 2)
    flat3 = (lax.broadcasted_iota(i32, (1, r, l), 1) * l
             + lax.broadcasted_iota(i32, (1, r, l), 2))
    del dist_ref
    pts = pts_ref[...]

    def body(i, carry):
        idx, dist = carry
        samp_ref[...] = jnp.where(iota_np == i, idx[:, :, 0], samp_ref[...])
        rows = [cols_ref[bi, pl.ds(idx[bi, 0, 0], 1), 0:3] for bi in range(b)]
        p = jnp.concatenate(rows, axis=0)
        p2_ref[...] = jnp.where(iota_np3 == i, p[:, :, None], p2_ref[...])
        diff = pts - p[:, :, None, None]
        sq = diff * diff
        d2 = (sq[:, 0] + sq[:, 1]) + sq[:, 2]
        nd = jnp.minimum(d2, dist)
        m = jnp.max(nd, axis=(1, 2), keepdims=True)
        cand = jnp.where(nd == m, flat3, r * l)
        nidx = jnp.min(cand, axis=(1, 2), keepdims=True).astype(i32)
        return (nidx, nd)

    lax.fori_loop(0, n_points, body,
                  (jnp.zeros((b, 1, 1), i32),
                   jnp.full((b, r, l), 1e10, jnp.float32)))


def _fps(pts4, p_pad):
    b, d, r, l = pts4.shape
    n_points = (r * l) // 4
    return pl.pallas_call(
        _fps_body,
        out_shape=(jax.ShapeDtypeStruct((b, n_points), jnp.int32),
                   jax.ShapeDtypeStruct((b, 3, n_points), jnp.float32)),
        scratch_shapes=[pltpu.VMEM((b, r, l), jnp.float32)],
    )(pts4, p_pad)


def _knn_body(cent_ref, pts_ref, out_ref, work_ref):
    C = cent_ref.shape[1]
    n = pts_ref.shape[2]
    b_idx = pl.program_id(0)
    cx = cent_ref[0, :, 0:1]
    cy = cent_ref[0, :, 1:2]
    cz = cent_ref[0, :, 2:3]
    xr = pts_ref[0, 0:1, :]
    yr = pts_ref[0, 1:2, :]
    zr = pts_ref[0, 2:3, :]
    dx = cx - xr
    dy = cy - yr
    dz = cz - zr
    w = (dx * dx + dy * dy) + dz * dz
    lane = lax.broadcasted_iota(jnp.int32, (C, n), 1)
    cols = []
    for _ in range(_K):
        m = jnp.min(w, axis=1, keepdims=True)
        idxv = jnp.min(jnp.where(w == m, lane, n), axis=1, keepdims=True)
        cols.append(idxv)
        w = jnp.where(lane == idxv, jnp.float32(3.0e38), w)
    out_ref[0] = jnp.concatenate(cols, axis=1) + b_idx * n


def _knn(p2c, pts_t, C=256):
    b, n_points, _ = p2c.shape
    n = pts_t.shape[2]
    return pl.pallas_call(
        _knn_body,
        grid=(b, n_points // C),
        in_specs=[
            pl.BlockSpec((1, C, 3), lambda bi, ci: (bi, ci, 0)),
            pl.BlockSpec((1, 3, n), lambda bi, ci: (bi, 0, 0)),
        ],
        out_specs=pl.BlockSpec((1, C, _K), lambda bi, ci: (bi, ci, 0)),
        out_shape=jax.ShapeDtypeStruct((b, n_points, _K), jnp.int32),
        scratch_shapes=[pltpu.VMEM((C, n), jnp.float32)],
    )(p2c, pts_t)


def _proj_body(f_ref, p_ref, wf_ref, wp_ref, g_ref):
    g = jnp.dot(f_ref[0], wf_ref[...], preferred_element_type=jnp.float32)
    g = g + jnp.dot(p_ref[0], wp_ref[...], preferred_element_type=jnp.float32)
    g_ref[0] = g


def _proj(feats, p_pad, wf, wp):
    b, n, F = feats.shape
    O = wf.shape[1]
    P = p_pad.shape[2]
    return pl.pallas_call(
        _proj_body,
        grid=(b,),
        in_specs=[
            pl.BlockSpec((1, n, F), lambda bi: (bi, 0, 0)),
            pl.BlockSpec((1, n, P), lambda bi: (bi, 0, 0)),
            pl.BlockSpec((F, O), lambda bi: (0, 0)),
            pl.BlockSpec((P, O), lambda bi: (0, 0)),
        ],
        out_specs=pl.BlockSpec((1, n, O), lambda bi: (bi, 0, 0)),
        out_shape=jax.ShapeDtypeStruct((b, n, O), jnp.float32),
    )(feats, p_pad, wf, wp)


def _sc_gather(table, idx):
    V, D = table.shape
    B = idx.shape[0]
    info = plsc.get_sparse_core_info()
    nw = info.num_cores * info.num_subcores
    CH = 128
    b_per_w = B // nw
    chunks = b_per_w // CH
    mesh = plsc.VectorSubcoreMesh(core_axis_name="c", subcore_axis_name="s")

    @functools.partial(
        pl.kernel, mesh=mesh,
        out_type=jax.ShapeDtypeStruct((B, D), jnp.float32),
        scratch_types=[
            pltpu.VMEM((CH,), jnp.int32),
            pltpu.VMEM((CH, D), jnp.float32),
            pltpu.SemaphoreType.DMA,
        ],
    )
    def gath(table_hbm, idx_hbm, out_hbm, idx_v, rows_v, sem):
        wid = lax.axis_index("s") * info.num_cores + lax.axis_index("c")
        base = wid * b_per_w

        def body(ci, carry):
            off = pl.multiple_of(base + ci * CH, CH)
            pltpu.sync_copy(idx_hbm.at[pl.ds(off, CH)], idx_v)
            pltpu.async_copy(table_hbm.at[idx_v], rows_v, sem).wait()
            pltpu.sync_copy(rows_v, out_hbm.at[pl.ds(off, CH)])
            return carry

        lax.fori_loop(0, chunks, body, 0)

    return gath(table, idx)


def _stats_body(x_ref, o_ref, s1_ref, s2_ref):
    i = pl.program_id(0)

    @pl.when(i == 0)
    def _():
        s1_ref[...] = jnp.zeros_like(s1_ref)
        s2_ref[...] = jnp.zeros_like(s2_ref)

    x = x_ref[...]
    s1_ref[...] += jnp.sum(x, axis=0, keepdims=True)
    s2_ref[...] += jnp.sum(x * x, axis=0, keepdims=True)

    @pl.when(i == pl.num_programs(0) - 1)
    def _():
        o_ref[0:1, :] = s1_ref[...]
        o_ref[1:2, :] = s2_ref[...]


def _stats(xg, R=4096):
    B, O = xg.shape
    return pl.pallas_call(
        _stats_body,
        grid=(B // R,),
        in_specs=[pl.BlockSpec((R, O), lambda i: (i, 0))],
        out_specs=pl.BlockSpec((2, O), lambda i: (0, 0)),
        out_shape=jax.ShapeDtypeStruct((2, O), jnp.float32),
        scratch_shapes=[pltpu.VMEM((1, O), jnp.float32),
                        pltpu.VMEM((1, O), jnp.float32)],
    )(xg)


def _bn_body(x_ref, st_ref, gam_ref, bet_ref, o_ref, *, n_tot):
    s1 = st_ref[0:1, :]
    s2 = st_ref[1:2, :]
    mean = s1 * (1.0 / n_tot)
    var = s2 * (1.0 / n_tot) - mean * mean
    inv = lax.rsqrt(var + 1e-5)
    a = inv * gam_ref[...]
    bconst = bet_ref[...] - mean * a
    y = x_ref[...] * a + bconst
    g = y * 0.5 * (1.0 + lax.erf(y * 0.7071067811865476))
    Cc = o_ref.shape[0]
    o_ref[...] = jnp.max(g.reshape(Cc, _K, g.shape[1]), axis=1)


def _bn(xg, stats, gam, bet, Cc=128):
    B, O = xg.shape
    nc = B // _K
    return pl.pallas_call(
        functools.partial(_bn_body, n_tot=float(B)),
        grid=(nc // Cc,),
        in_specs=[
            pl.BlockSpec((Cc * _K, O), lambda i: (i, 0)),
            pl.BlockSpec((2, O), lambda i: (0, 0)),
            pl.BlockSpec((1, O), lambda i: (0, 0)),
            pl.BlockSpec((1, O), lambda i: (0, 0)),
        ],
        out_specs=pl.BlockSpec((Cc, O), lambda i: (i, 0)),
        out_shape=jax.ShapeDtypeStruct((nc, O), jnp.float32),
    )(xg, stats, gam, bet)


def kernel(feats, points, W, b_fc, gamma, beta):
    b, n, F = feats.shape
    d = points.shape[2]
    O = W.shape[1]
    n_points = n // 4
    r = 8
    l = n // r

    pts_t = jnp.transpose(points, (0, 2, 1))
    p_pad = jnp.concatenate(
        [points, jnp.zeros((b, n, 8 - d), points.dtype)], axis=-1)
    sampled, p2t = _fps(pts_t.reshape(b, d, 64, n // 64), p_pad)
    p2c = jnp.transpose(p2t, (0, 2, 1))
    knn = _knn(p2c, pts_t)

    wp = jnp.concatenate([W[:d], jnp.zeros((8 - d, O), W.dtype)], axis=0)
    G = _proj(feats, p_pad, W[d:], wp)

    xg = _sc_gather(G.reshape(b * n, O), knn.reshape(b * n_points * _K))
    st = _stats(xg)
    out = _bn(xg, st, gamma.reshape(1, O), beta.reshape(1, O))
    return out.reshape(b, n_points, O), p2c

# --- scband reference (transcript-rebuilt; emitter-appended) ---
"""Pipeline reference for scband-transition-down-85461259256090 (READ-ONLY COPY).

The authoritative reference and input builder live on the scoring server;
editing this copy changes nothing except your own understanding.
"""

import jax, jax.numpy as jnp
import numpy as np

K = 16
EPS = 1e-5


def fps(points, n_points):
    b, n, d = points.shape
    distance = jnp.full((b, n), 1e10, dtype=points.dtype)
    sample_idx = jnp.zeros((b,), dtype=jnp.int32)
    sampled = jnp.zeros((b, n_points), dtype=jnp.int32)

    def body(i, carry):
        distance, sample_idx, sampled = carry
        sampled = sampled.at[:, i].set(sample_idx)
        point = points[jnp.arange(b), sample_idx, :][:, None, :]
        dist = jnp.sum((points - point) ** 2, -1)
        distance = jnp.minimum(dist, distance)
        sample_idx = jnp.argmax(distance, -1).astype(jnp.int32)
        return (distance, sample_idx, sampled)

    _, _, sampled = jax.lax.fori_loop(0, n_points, body, (distance, sample_idx, sampled))
    return sampled


def get_points(points, idx):
    raw = idx.shape
    b = raw[0]
    idx2 = idx.reshape(b, -1)
    d = points.shape[-1]
    gidx = jnp.broadcast_to(idx2[..., None], (b, idx2.shape[1], d))
    res = jnp.take_along_axis(points, gidx, axis=1)
    return res.reshape(*raw, d)


def _forward(feats, points, W, b_fc, gamma, beta):
    b, n, in_feats = feats.shape
    n_points = n // 4
    # FPS produces integer indices; no gradient flows through argmax selection
    p2_idx = fps(jax.lax.stop_gradient(points), n_points)
    p2_points = get_points(points, p2_idx)
    # brute-force kNN: pairwise squared distances, top-k smallest (sorted)
    d2 = jnp.sum((p2_points[:, :, None, :] - points[:, None, :, :]) ** 2, -1)
    _, knn_idx = jax.lax.top_k(-d2, K)
    p2_knn_points = get_points(points, knn_idx)
    p2_knn_feats = get_points(feats, knn_idx)
    x = jnp.concatenate([p2_knn_points, p2_knn_feats], axis=-1)
    x = x @ W + b_fc  # [b, n_points, k, out_feats]
    x = jnp.transpose(x, (0, 3, 2, 1))  # [b, out_feats, k, n_points]
    # BatchNorm2d in training mode: batch statistics over (N, H, W) per channel
    mean = jnp.mean(x, axis=(0, 2, 3), keepdims=True)
    var = jnp.var(x, axis=(0, 2, 3), keepdims=True)
    xhat = (x - mean) / jnp.sqrt(var + EPS)
    x = xhat * gamma[None, :, None, None] + beta[None, :, None, None]
    x = jax.nn.gelu(x, approximate=False)
    x = jnp.max(x, axis=2)  # max over k neighbors
    x = jnp.transpose(x, (0, 2, 1))  # [b, n_points, out_feats]
    return x, p2_points


def setup_inputs(seed: int = 0):
    key = jax.random.key(seed)
    ks = jax.random.split(key, 6)
    b, n, in_feats, d_points, out_feats = 2, 8192, 64, 3, 128
    feats = jax.random.normal(ks[0], (b, n, in_feats), dtype=jnp.float32)
    points = jax.random.normal(ks[1], (b, n, d_points), dtype=jnp.float32)
    fan_in = in_feats + d_points
    lim = 1.0 / np.sqrt(fan_in)
    W = jax.random.uniform(ks[2], (fan_in, out_feats), minval=-lim, maxval=lim, dtype=jnp.float32)
    b_fc = jax.random.uniform(ks[3], (out_feats,), minval=-lim, maxval=lim, dtype=jnp.float32)
    gamma = jnp.ones((out_feats,), dtype=jnp.float32)
    beta = jnp.zeros((out_feats,), dtype=jnp.float32)
    return {"feats": feats, "points": points, "W": W, "b_fc": b_fc, "gamma": gamma, "beta": beta}


def reference(feats, points, W, b_fc, gamma, beta):
    return _forward(feats, points, W, b_fc, gamma, beta)

if __name__ == "__main__":
    import jax
    _d = setup_inputs()
    print(jax.jit(kernel)(*tuple(_d.values())))

</pallas_src>

<mosaic_0001>
#map = affine_map<(d0, d1) -> (0, 0)>
#map1 = affine_map<(d0, d1) -> (0)>
module attributes {stable_mosaic.version = 14 : i64} {
  func.func @gath(%arg0: i32, %arg1: i32, %arg2: memref<16384x128xf32, #tpu.memory_space<hbm>>, %arg3: memref<65536xi32, #tpu.memory_space<hbm>>, %arg4: memref<65536x128xf32, #tpu.memory_space<hbm>>, %arg5: memref<128xi32, #tpu.memory_space<vmem>>, %arg6: memref<128x128xf32, #tpu.memory_space<vmem>>, %arg7: memref<!tpu.dma_semaphore, #tpu.memory_space<semaphore_mem>>) attributes {dimension_semantics = [#tpu.dimension_semantics<core_parallel>, #tpu.dimension_semantics<subcore_parallel>], iteration_bounds = array<i64: 2, 16>, scalar_prefetch = 0 : i64, scratch_operands = 3 : i64, tpu.core_type = #tpu.core_type<sc_vector_subcore>, window_params = [{transform_indices = #map}, {transform_indices = #map1}, {transform_indices = #map}]} {
    %mul3A = arith.constant 2 : i32
    %mul3A_0 = arith.muli %arg1, %mul3A : i32
    %add3A = arith.addi %mul3A_0, %arg0 : i32
    %mul3A_1 = arith.constant 2048 : i32
    %mul3A_2 = arith.muli %add3A, %mul3A_1 : i32
    %scan3A = arith.constant 0 : i32
    %scan3A_3 = arith.constant 0 : i32
    %scan3A_4 = arith.constant 16 : i32
    %scan3A_5 = arith.addi %scan3A_3, %scan3A_4 : i32
    %scan3A_6 = arith.constant 1 : i32
    scf.for %scan3A_8 = %scan3A_3 to %scan3A_5 step %scan3A_6  : i32 {
      %mul3A_9 = arith.constant 128 : i32
      %mul3A_10 = arith.muli %scan3A_8, %mul3A_9 : i32
      %add3A_11 = arith.addi %mul3A_2, %mul3A_10 : i32
      %multiple_of3A = tpu.assume_multiple %add3A_11, 128 : i32
      "tpu.region"() ({
        %run_scoped3A = tpu.sem_alloc : memref<!tpu.dma_semaphore, #tpu.memory_space<semaphore_mem>>
        %dma_start3A_16 = tpu.memref_slice %arg3[%multiple_of3A] : memref<65536xi32, #tpu.memory_space<hbm>> -> memref<128xi32, #tpu.memory_space<hbm>>
        %dma_start3A_17 = tpu.memref_slice %arg3[%multiple_of3A] : memref<65536xi32, #tpu.memory_space<hbm>> -> memref<128xi32, #tpu.memory_space<hbm>>
        tpu.enqueue_dma source(%dma_start3A_17 : memref<128xi32, #tpu.memory_space<hbm>>) target(%arg5 : memref<128xi32, #tpu.memory_space<vmem>>) target_semaphore(%run_scoped3A : memref<!tpu.dma_semaphore, #tpu.memory_space<semaphore_mem>>)
        %dma_wait3A_18 = tpu.memref_slice %arg3[%multiple_of3A] : memref<65536xi32, #tpu.memory_space<hbm>> -> memref<128xi32, #tpu.memory_space<hbm>>
        %dma_wait3A_19 = tpu.memref_slice %arg3[%multiple_of3A] : memref<65536xi32, #tpu.memory_space<hbm>> -> memref<128xi32, #tpu.memory_space<hbm>>
        tpu.wait_dma2 semaphore(%run_scoped3A : memref<!tpu.dma_semaphore, #tpu.memory_space<semaphore_mem>>) src(%dma_wait3A_19 : memref<128xi32, #tpu.memory_space<hbm>>) dst(%arg5 : memref<128xi32, #tpu.memory_space<vmem>>)
        tpu.yield
      }) : () -> ()
      %dma_start3A = arith.constant 0 : i32
      %dma_start3A_12 = arith.constant 0 : i32
      %dma_start3A_13 = tpu.memref_slice %arg2[%dma_start3A, %dma_start3A_12] : memref<16384x128xf32, #tpu.memory_space<hbm>> -> memref<16384x128xf32, #tpu.memory_space<hbm>>
      tpu.enqueue_indirect_dma source(%dma_start3A_13 : memref<16384x128xf32, #tpu.memory_space<hbm>>) target(%arg6 : memref<128x128xf32, #tpu.memory_space<vmem>>) offsets(%arg5 : memref<128xi32, #tpu.memory_space<vmem>>) semaphore(%arg7 : memref<!tpu.dma_semaphore, #tpu.memory_space<semaphore_mem>>)
      %dma_wait3A = arith.constant 0 : i32
      %dma_wait3A_14 = arith.constant 0 : i32
      %dma_wait3A_15 = tpu.memref_slice %arg2[%dma_wait3A, %dma_wait3A_14] : memref<16384x128xf32, #tpu.memory_space<hbm>> -> memref<16384x128xf32, #tpu.memory_space<hbm>>
      tpu.wait_indirect_dma semaphore(%arg7 : memref<!tpu.dma_semaphore, #tpu.memory_space<semaphore_mem>>) src(%dma_wait3A_15 : memref<16384x128xf32, #tpu.memory_space<hbm>>) dst(%arg6 : memref<128x128xf32, #tpu.memory_space<vmem>>)
      "tpu.region"() ({
        %run_scoped3A = tpu.sem_alloc : memref<!tpu.dma_semaphore, #tpu.memory_space<semaphore_mem>>
        %dma_start3A_16 = arith.constant 0 : i32
        %dma_start3A_17 = tpu.memref_slice %arg4[%multiple_of3A, %dma_start3A_16] : memref<65536x128xf32, #tpu.memory_space<hbm>> -> memref<128x128xf32, #tpu.memory_space<hbm>>
        %dma_start3A_18 = arith.constant 0 : i32
        %dma_start3A_19 = tpu.memref_slice %arg4[%multiple_of3A, %dma_start3A_18] : memref<65536x128xf32, #tpu.memory_space<hbm>> -> memref<128x128xf32, #tpu.memory_space<hbm>>
        tpu.enqueue_dma source(%arg6 : memref<128x128xf32, #tpu.memory_space<vmem>>) target(%dma_start3A_19 : memref<128x128xf32, #tpu.memory_space<hbm>>) target_semaphore(%run_scoped3A : memref<!tpu.dma_semaphore, #tpu.memory_space<semaphore_mem>>)
        %dma_wait3A_20 = arith.constant 0 : i32
        %dma_wait3A_21 = tpu.memref_slice %arg4[%multiple_of3A, %dma_wait3A_20] : memref<65536x128xf32, #tpu.memory_space<hbm>> -> memref<128x128xf32, #tpu.memory_space<hbm>>
        %dma_wait3A_22 = arith.constant 0 : i32
        %dma_wait3A_23 = tpu.memref_slice %arg4[%multiple_of3A, %dma_wait3A_22] : memref<65536x128xf32, #tpu.memory_space<hbm>> -> memref<128x128xf32, #tpu.memory_space<hbm>>
        tpu.wait_dma2 semaphore(%run_scoped3A : memref<!tpu.dma_semaphore, #tpu.memory_space<semaphore_mem>>) src(%arg6 : memref<128x128xf32, #tpu.memory_space<vmem>>) dst(%dma_wait3A_23 : memref<128x128xf32, #tpu.memory_space<hbm>>)
        tpu.yield
      }) : () -> ()
    }
    %scan3A_7 = arith.constant 16 : i32
    return
  }
}

module attributes {stable_mosaic.version = 14 : i64} {
  func.func @_fps_body(%arg0: memref<2x3x64x128xf32, #tpu.memory_space<vmem>>, %arg1: memref<2x8192x8xf32, #tpu.memory_space<vmem>>, %arg2: memref<2x2048xi32, #tpu.memory_space<vmem>>, %arg3: memref<2x3x2048xf32, #tpu.memory_space<vmem>>, %arg4: memref<2x64x128xf32, #tpu.memory_space<vmem>>) attributes {dimension_semantics = [], scalar_prefetch = 0 : i64, scratch_operands = 1 : i64, tpu.core_type = #tpu.core_type<tc>} {
    %iota3A = tpu.iota {dimensions = array<i32: 1>} : vector<2x2048xi32>
    %iota3A_0 = tpu.iota {dimensions = array<i32: 2>} : vector<1x1x2048xi32>
    %iota3A_1 = tpu.iota {dimensions = array<i32: 1>} : vector<1x64x128xi32>
    %mul3A = arith.constant 128 : i32
    %mul3A_2 = vector.broadcast %mul3A : i32 to vector<1x64x128xi32>
    %mul3A_3 = arith.muli %iota3A_1, %mul3A_2 : vector<1x64x128xi32>
    %iota3A_4 = tpu.iota {dimensions = array<i32: 2>} : vector<1x64x128xi32>
    %add3A = arith.addi %mul3A_3, %iota3A_4 : vector<1x64x128xi32>
    %get3A = arith.constant 0 : index
    %get3A_5 = arith.constant 0 : index
    %get3A_6 = arith.constant 0 : index
    %get3A_7 = arith.constant 0 : index
    %get3A_8 = vector.load %arg0[%get3A, %get3A_5, %get3A_6, %get3A_7] : memref<2x3x64x128xf32, #tpu.memory_space<vmem>>, vector<2x3x64x128xf32>
    %broadcast_in_dim3A = arith.constant 0 : i32
    %broadcast_in_dim3A_9 = vector.broadcast %broadcast_in_dim3A : i32 to vector<2x1x1xi32>
    %broadcast_in_dim3A_10 = arith.constant 1.000000e+10 : f32
    %broadcast_in_dim3A_11 = vector.broadcast %broadcast_in_dim3A_10 : f32 to vector<2x64x128xf32>
    %scan3A = arith.constant 0 : i32
    %scan3A_12 = arith.constant 2048 : i32
    %scan3A_13 = arith.addi %scan3A, %scan3A_12 : i32
    %scan3A_14 = arith.constant 1 : i32
    %scan3A_15:2 = scf.for %scan3A_17 = %scan3A to %scan3A_13 step %scan3A_14 iter_args(%scan3A_18 = %broadcast_in_dim3A_9, %scan3A_19 = %broadcast_in_dim3A_11) -> (vector<2x1x1xi32>, vector<2x64x128xf32>)  : i32 {
      %eq3A = vector.broadcast %scan3A_17 : i32 to vector<2x2048xi32>
      %eq3A_20 = arith.cmpi eq, %iota3A, %eq3A : vector<2x2048xi32>
      %squeeze3A = vector.shape_cast %scan3A_18 : vector<2x1x1xi32> to vector<2x1xi32>
      %get3A_21 = arith.constant 0 : index
      %get3A_22 = arith.constant 0 : index
      %get3A_23 = vector.load %arg2[%get3A_21, %get3A_22] : memref<2x2048xi32, #tpu.memory_space<vmem>>, vector<2x2048xi32>
      %broadcast_in_dim3A_24 = vector.shape_cast %squeeze3A : vector<2x1xi32> to vector<2x1xi32>
      %broadcast_in_dim3A_25 = vector.broadcast %broadcast_in_dim3A_24 : vector<2x1xi32> to vector<2x2048xi32>
      %select_n3A = arith.select %eq3A_20, %broadcast_in_dim3A_25, %get3A_23 : vector<2x2048xi1>, vector<2x2048xi32>
      %swap3A = arith.constant 0 : index
      %swap3A_26 = arith.constant 0 : index
      %swap3A_27 = vector.load %arg2[%swap3A, %swap3A_26] : memref<2x2048xi32, #tpu.memory_space<vmem>>, vector<2x2048xi32>
      tpu.vector_store %arg2[%swap3A, %swap3A_26], %select_n3A {strides = array<i32>} : memref<2x2048xi32, #tpu.memory_space<vmem>>, vector<2x2048xi32>,
      %slice3A = vector.extract_strided_slice %scan3A_18 {offsets = [0, 0, 0], sizes = [1, 1, 1], strides = [1, 1, 1]} : vector<2x1x1xi32> to vector<1x1x1xi32>
      %squeeze3A_28 = vector.extract %slice3A[0, 0, 0] : i32 from vector<1x1x1xi32>
      %get3A_29 = arith.constant 0 : index
      %get3A_30 = arith.index_cast %squeeze3A_28 : i32 to index
      %get3A_31 = arith.constant 0 : index
      %get3A_32 = vector.load %arg1[%get3A_29, %get3A_30, %get3A_31] : memref<2x8192x8xf32, #tpu.memory_space<vmem>>, vector<1x1x3xf32>
      %get3A_33 = vector.shape_cast %get3A_32 : vector<1x1x3xf32> to vector<1x3xf32>
      %slice3A_34 = vector.extract_strided_slice %scan3A_18 {offsets = [1, 0, 0], sizes = [1, 1, 1], strides = [1, 1, 1]} : vector<2x1x1xi32> to vector<1x1x1xi32>
      %squeeze3A_35 = vector.extract %slice3A_34[0, 0, 0] : i32 from vector<1x1x1xi32>
      %get3A_36 = arith.constant 1 : index
      %get3A_37 = arith.index_cast %squeeze3A_35 : i32 to index
      %get3A_38 = arith.constant 0 : index
      %get3A_39 = vector.load %arg1[%get3A_36, %get3A_37, %get3A_38] : memref<2x8192x8xf32, #tpu.memory_space<vmem>>, vector<1x1x3xf32>
      %get3A_40 = vector.shape_cast %get3A_39 : vector<1x1x3xf32> to vector<1x3xf32>
      %concatenate3A = tpu.concatenate %get3A_33, %get3A_40 in 0 : vector<1x3xf32>, vector<1x3xf32> -> vector<2x3xf32>
      %eq3A_41 = vector.broadcast %scan3A_17 : i32 to vector<1x1x2048xi32>
      %eq3A_42 = arith.cmpi eq, %iota3A_0, %eq3A_41 : vector<1x1x2048xi32>
      %broadcast_in_dim3A_43 = vector.shape_cast %concatenate3A : vector<2x3xf32> to vector<2x3x1xf32>
      %get3A_44 = arith.constant 0 : index
      %get3A_45 = arith.constant 0 : index
      %get3A_46 = arith.constant 0 : index
      %get3A_47 = vector.load %arg3[%get3A_44, %get3A_45, %get3A_46] : memref<2x3x2048xf32, #tpu.memory_space<vmem>>, vector<2x3x2048xf32>
      %broadcast_in_dim3A_48 = vector.shape_cast %eq3A_42 : vector<1x1x2048xi1> to vector<1x1x2048xi1>
      %broadcast_in_dim3A_49 = vector.broadcast %broadcast_in_dim3A_48 : vector<1x1x2048xi1> to vector<2x3x2048xi1>
      %broadcast_in_dim3A_50 = vector.shape_cast %broadcast_in_dim3A_43 : vector<2x3x1xf32> to vector<2x3x1xf32>
      %broadcast_in_dim3A_51 = vector.broadcast %broadcast_in_dim3A_50 : vector<2x3x1xf32> to vector<2x3x2048xf32>
      %select_n3A_52 = arith.select %broadcast_in_dim3A_49, %broadcast_in_dim3A_51, %get3A_47 : vector<2x3x2048xi1>, vector<2x3x2048xf32>
      %swap3A_53 = arith.constant 0 : index
      %swap3A_54 = arith.constant 0 : index
      %swap3A_55 = arith.constant 0 : index
      %swap3A_56 = vector.load %arg3[%swap3A_53, %swap3A_54, %swap3A_55] : memref<2x3x2048xf32, #tpu.memory_space<vmem>>, vector<2x3x2048xf32>
      tpu.vector_store %arg3[%swap3A_53, %swap3A_54, %swap3A_55], %select_n3A_52 {strides = array<i32>} : memref<2x3x2048xf32, #tpu.memory_space<vmem>>, vector<2x3x2048xf32>,
      %broadcast_in_dim3A_57 = vector.shape_cast %concatenate3A : vector<2x3xf32> to vector<2x3x1x1xf32>
      %sub3A = vector.broadcast %broadcast_in_dim3A_57 : vector<2x3x1x1xf32> to vector<2x3x64x128xf32>
      %sub3A_58 = arith.subf %get3A_8, %sub3A : vector<2x3x64x128xf32>
      %mul3A_59 = arith.mulf %sub3A_58, %sub3A_58 : vector<2x3x64x128xf32>
      %slice3A_60 = vector.extract_strided_slice %mul3A_59 {offsets = [0, 0, 0, 0], sizes = [2, 1, 64, 128], strides = [1, 1, 1, 1]} : vector<2x3x64x128xf32> to vector<2x1x64x128xf32>
      %squeeze3A_61 = vector.shape_cast %slice3A_60 : vector<2x1x64x128xf32> to vector<2x64x128xf32>
      %slice3A_62 = vector.extract_strided_slice %mul3A_59 {offsets = [0, 1, 0, 0], sizes = [2, 1, 64, 128], strides = [1, 1, 1, 1]} : vector<2x3x64x128xf32> to vector<2x1x64x128xf32>
      %squeeze3A_63 = vector.shape_cast %slice3A_62 : vector<2x1x64x128xf32> to vector<2x64x128xf32>
      %add3A_64 = arith.addf %squeeze3A_61, %squeeze3A_63 : vector<2x64x128xf32>
      %slice3A_65 = vector.extract_strided_slice %mul3A_59 {offsets = [0, 2, 0, 0], sizes = [2, 1, 64, 128], strides = [1, 1, 1, 1]} : vector<2x3x64x128xf32> to vector<2x1x64x128xf32>
      %squeeze3A_66 = vector.shape_cast %slice3A_65 : vector<2x1x64x128xf32> to vector<2x64x128xf32>
      %add3A_67 = arith.addf %add3A_64, %squeeze3A_66 : vector<2x64x128xf32>
      %min3A = arith.minimumf %add3A_67, %scan3A_19 : vector<2x64x128xf32>
      %reduce_max3A = arith.constant dense<0xFF800000> : vector<2xf32>
      %reduce_max3A_68 = vector.multi_reduction <maximumf>, %min3A, %reduce_max3A [1, 2] : vector<2x64x128xf32> to vector<2xf32>
      %broadcast_in_dim3A_69 = vector.shape_cast %reduce_max3A_68 : vector<2xf32> to vector<2x1x1xf32>
      %eq3A_70 = vector.broadcast %broadcast_in_dim3A_69 : vector<2x1x1xf32> to vector<2x64x128xf32>
      %eq3A_71 = arith.cmpf oeq, %min3A, %eq3A_70 : vector<2x64x128xf32>
      %jit3A = arith.constant 8192 : i32
      %broadcast_in_dim3A_72 = vector.shape_cast %add3A : vector<1x64x128xi32> to vector<1x64x128xi32>
      %broadcast_in_dim3A_73 = vector.broadcast %broadcast_in_dim3A_72 : vector<1x64x128xi32> to vector<2x64x128xi32>
      %broadcast_in_dim3A_74 = vector.broadcast %jit3A : i32 to vector<2x64x128xi32>
      %select_n3A_75 = arith.select %eq3A_71, %broadcast_in_dim3A_73, %broadcast_in_dim3A_74 : vector<2x64x128xi1>, vector<2x64x128xi32>
      %reduce_min3A = arith.constant dense<2147483647> : vector<2xi32>
      %reduce_min3A_76 = vector.multi_reduction <minsi>, %select_n3A_75, %reduce_min3A [1, 2] : vector<2x64x128xi32> to vector<2xi32>
      %broadcast_in_dim3A_77 = vector.shape_cast %reduce_min3A_76 : vector<2xi32> to vector<2x1x1xi32>
      scf.yield %broadcast_in_dim3A_77, %min3A : vector<2x1x1xi32>, vector<2x64x128xf32>
    }
    %scan3A_16 = arith.constant 2048 : i32
    return
  }
}

module attributes {stable_mosaic.version = 14 : i64} {
  func.func @_proj_body(%arg0: i32, %arg1: memref<1x8192x64xf32, #tpu.memory_space<vmem>>, %arg2: memref<1x8192x8xf32, #tpu.memory_space<vmem>>, %arg3: memref<64x128xf32, #tpu.memory_space<vmem>>, %arg4: memref<8x128xf32, #tpu.memory_space<vmem>>, %arg5: memref<1x8192x128xf32, #tpu.memory_space<vmem>>) attributes {dimension_semantics = [#tpu.dimension_semantics<arbitrary>], iteration_bounds = array<i64: 2>, scalar_prefetch = 0 : i64, scratch_operands = 0 : i64, tpu.core_type = #tpu.core_type<tc>, window_params = [{transform_indices = @transform_0, window_bounds = array<i64: 1, 8192, 64>}, {transform_indices = @transform_1, window_bounds = array<i64: 1, 8192, 8>}, {pipeline_mode = #tpu.pipeline_mode<synchronous>, transform_indices = @transform_2, window_bounds = array<i64: 64, 128>}, {pipeline_mode = #tpu.pipeline_mode<synchronous>, transform_indices = @transform_3, window_bounds = array<i64: 8, 128>}, {transform_indices = @transform_4, window_bounds = array<i64: 1, 8192, 128>}]} {
    %get3A = arith.constant 0 : index
    %get3A_0 = arith.constant 0 : index
    %get3A_1 = arith.constant 0 : index
    %get3A_2 = vector.load %arg1[%get3A, %get3A_0, %get3A_1] : memref<1x8192x64xf32, #tpu.memory_space<vmem>>, vector<1x8192x64xf32>
    %get3A_3 = vector.shape_cast %get3A_2 : vector<1x8192x64xf32> to vector<8192x64xf32>
    %get3A_4 = arith.constant 0 : index
    %get3A_5 = arith.constant 0 : index
    %get3A_6 = vector.load %arg3[%get3A_4, %get3A_5] : memref<64x128xf32, #tpu.memory_space<vmem>>, vector<64x128xf32>
    %dot_general3A = arith.constant dense<0.000000e+00> : vector<8192x128xf32>
    %dot_general3A_7 = tpu.matmul %get3A_3, %get3A_6, %dot_general3A {dimension_numbers = #tpu.dot_dimension_numbers<[1], [0], [0], [1], [0, 0, 1, 1], [], []>, transpose_lhs_hint = false} : vector<8192x64xf32>, vector<64x128xf32>, vector<8192x128xf32> -> vector<8192x128xf32>
    %get3A_8 = arith.constant 0 : index
    %get3A_9 = arith.constant 0 : index
    %get3A_10 = arith.constant 0 : index
    %get3A_11 = vector.load %arg2[%get3A_8, %get3A_9, %get3A_10] : memref<1x8192x8xf32, #tpu.memory_space<vmem>>, vector<1x8192x8xf32>
    %get3A_12 = vector.shape_cast %get3A_11 : vector<1x8192x8xf32> to vector<8192x8xf32>
    %get3A_13 = arith.constant 0 : index
    %get3A_14 = arith.constant 0 : index
    %get3A_15 = vector.load %arg4[%get3A_13, %get3A_14] : memref<8x128xf32, #tpu.memory_space<vmem>>, vector<8x128xf32>
    %dot_general3A_16 = arith.constant dense<0.000000e+00> : vector<8192x128xf32>
    %dot_general3A_17 = tpu.matmul %get3A_12, %get3A_15, %dot_general3A_16 {dimension_numbers = #tpu.dot_dimension_numbers<[1], [0], [0], [1], [0, 0, 1, 1], [], []>, transpose_lhs_hint = false} : vector<8192x8xf32>, vector<8x128xf32>, vector<8192x128xf32> -> vector<8192x128xf32>
    %add3A = arith.addf %dot_general3A_7, %dot_general3A_17 : vector<8192x128xf32>
    %swap3A = arith.constant 0 : index
    %swap3A_18 = arith.constant 0 : index
    %swap3A_19 = arith.constant 0 : index
    %swap3A_20 = vector.load %arg5[%swap3A, %swap3A_18, %swap3A_19] : memref<1x8192x128xf32, #tpu.memory_space<vmem>>, vector<1x8192x128xf32>
    %swap3A_21 = vector.shape_cast %swap3A_20 : vector<1x8192x128xf32> to vector<8192x128xf32>
    %swap3A_22 = vector.shape_cast %add3A : vector<8192x128xf32> to vector<1x8192x128xf32>
    tpu.vector_store %arg5[%swap3A, %swap3A_18, %swap3A_19], %swap3A_22 {strides = array<i32>} : memref<1x8192x128xf32, #tpu.memory_space<vmem>>, vector<1x8192x128xf32>,
    return
  }
  func.func @transform_0(%arg0: i32) -> (i32, i32, i32) {
    %c0_i32 = arith.constant 0 : i32
    %c0_i32_0 = arith.constant 0 : i32
    %c0_i32_1 = arith.constant 0 : i32
    return %arg0, %c0_i32, %c0_i32_0 : i32, i32, i32
  }
  func.func @transform_1(%arg0: i32) -> (i32, i32, i32) {
    %c0_i32 = arith.constant 0 : i32
    %c0_i32_0 = arith.constant 0 : i32
    %c0_i32_1 = arith.constant 0 : i32
    return %arg0, %c0_i32, %c0_i32_0 : i32, i32, i32
  }
  func.func @transform_2(%arg0: i32) -> (i32, i32) {
    %c0_i32 = arith.constant 0 : i32
    %c0_i32_0 = arith.constant 0 : i32
    %c0_i32_1 = arith.constant 0 : i32
    return %c0_i32, %c0_i32_0 : i32, i32
  }
  func.func @transform_3(%arg0: i32) -> (i32, i32) {
    %c0_i32 = arith.constant 0 : i32
    %c0_i32_0 = arith.constant 0 : i32
    %c0_i32_1 = arith.constant 0 : i32
    return %c0_i32, %c0_i32_0 : i32, i32
  }
  func.func @transform_4(%arg0: i32) -> (i32, i32, i32) {
    %c0_i32 = arith.constant 0 : i32
    %c0_i32_0 = arith.constant 0 : i32
    %c0_i32_1 = arith.constant 0 : i32
    return %arg0, %c0_i32, %c0_i32_0 : i32, i32, i32
  }
}

module attributes {stable_mosaic.version = 14 : i64} {
  func.func @_knn_body(%arg0: i32, %arg1: i32, %arg2: memref<1x256x3xf32, #tpu.memory_space<vmem>>, %arg3: memref<1x3x8192xf32, #tpu.memory_space<vmem>>, %arg4: memref<1x256x16xi32, #tpu.memory_space<vmem>>, %arg5: memref<256x8192xf32, #tpu.memory_space<vmem>>) attributes {dimension_semantics = [#tpu.dimension_semantics<arbitrary>, #tpu.dimension_semantics<arbitrary>], iteration_bounds = array<i64: 2, 8>, scalar_prefetch = 0 : i64, scratch_operands = 1 : i64, tpu.core_type = #tpu.core_type<tc>, window_params = [{transform_indices = @transform_0, window_bounds = array<i64: 1, 256, 3>}, {transform_indices = @transform_1, window_bounds = array<i64: 1, 3, 8192>}, {transform_indices = @transform_2, window_bounds = array<i64: 1, 256, 16>}]} {
    %get3A = arith.constant 0 : index
    %get3A_0 = arith.constant 0 : index
    %get3A_1 = arith.constant 0 : index
    %get3A_2 = vector.load %arg2[%get3A, %get3A_0, %get3A_1] : memref<1x256x3xf32, #tpu.memory_space<vmem>>, vector<1x256x1xf32>
    %get3A_3 = vector.shape_cast %get3A_2 : vector<1x256x1xf32> to vector<256x1xf32>
    %get3A_4 = arith.constant 0 : index
    %get3A_5 = arith.constant 0 : index
    %get3A_6 = arith.constant 1 : index
    %get3A_7 = vector.load %arg2[%get3A_4, %get3A_5, %get3A_6] : memref<1x256x3xf32, #tpu.memory_space<vmem>>, vector<1x256x1xf32>
    %get3A_8 = vector.shape_cast %get3A_7 : vector<1x256x1xf32> to vector<256x1xf32>
    %get3A_9 = arith.constant 0 : index
    %get3A_10 = arith.constant 0 : index
    %get3A_11 = arith.constant 2 : index
    %get3A_12 = vector.load %arg2[%get3A_9, %get3A_10, %get3A_11] : memref<1x256x3xf32, #tpu.memory_space<vmem>>, vector<1x256x1xf32>
    %get3A_13 = vector.shape_cast %get3A_12 : vector<1x256x1xf32> to vector<256x1xf32>
    %get3A_14 = arith.constant 0 : index
    %get3A_15 = arith.constant 0 : index
    %get3A_16 = arith.constant 0 : index
    %get3A_17 = vector.load %arg3[%get3A_14, %get3A_15, %get3A_16] : memref<1x3x8192xf32, #tpu.memory_space<vmem>>, vector<1x1x8192xf32>
    %get3A_18 = vector.shape_cast %get3A_17 : vector<1x1x8192xf32> to vector<1x8192xf32>
    %get3A_19 = arith.constant 0 : index
    %get3A_20 = arith.constant 1 : index
    %get3A_21 = arith.constant 0 : index
    %get3A_22 = vector.load %arg3[%get3A_19, %get3A_20, %get3A_21] : memref<1x3x8192xf32, #tpu.memory_space<vmem>>, vector<1x1x8192xf32>
    %get3A_23 = vector.shape_cast %get3A_22 : vector<1x1x8192xf32> to vector<1x8192xf32>
    %get3A_24 = arith.constant 0 : index
    %get3A_25 = arith.constant 2 : index
    %get3A_26 = arith.constant 0 : index
    %get3A_27 = vector.load %arg3[%get3A_24, %get3A_25, %get3A_26] : memref<1x3x8192xf32, #tpu.memory_space<vmem>>, vector<1x1x8192xf32>
    %get3A_28 = vector.shape_cast %get3A_27 : vector<1x1x8192xf32> to vector<1x8192xf32>
    %sub3A = vector.broadcast %get3A_3 : vector<256x1xf32> to vector<256x8192xf32>
    %sub3A_29 = vector.broadcast %get3A_18 : vector<1x8192xf32> to vector<256x8192xf32>
    %sub3A_30 = arith.subf %sub3A, %sub3A_29 : vector<256x8192xf32>
    %sub3A_31 = vector.broadcast %get3A_8 : vector<256x1xf32> to vector<256x8192xf32>
    %sub3A_32 = vector.broadcast %get3A_23 : vector<1x8192xf32> to vector<256x8192xf32>
    %sub3A_33 = arith.subf %sub3A_31, %sub3A_32 : vector<256x8192xf32>
    %sub3A_34 = vector.broadcast %get3A_13 : vector<256x1xf32> to vector<256x8192xf32>
    %sub3A_35 = vector.broadcast %get3A_28 : vector<1x8192xf32> to vector<256x8192xf32>
    %sub3A_36 = arith.subf %sub3A_34, %sub3A_35 : vector<256x8192xf32>
    %mul3A = arith.mulf %sub3A_30, %sub3A_30 : vector<256x8192xf32>
    %mul3A_37 = arith.mulf %sub3A_33, %sub3A_33 : vector<256x8192xf32>
    %add3A = arith.addf %mul3A, %mul3A_37 : vector<256x8192xf32>
    %mul3A_38 = arith.mulf %sub3A_36, %sub3A_36 : vector<256x8192xf32>
    %add3A_39 = arith.addf %add3A, %mul3A_38 : vector<256x8192xf32>
    %iota3A = tpu.iota {dimensions = array<i32: 1>} : vector<256x8192xi32>
    %reduce_min3A = arith.constant dense<0x7F800000> : vector<256xf32>
    %reduce_min3A_40 = vector.multi_reduction <minimumf>, %add3A_39, %reduce_min3A [1] : vector<256x8192xf32> to vector<256xf32>
    %broadcast_in_dim3A = vector.shape_cast %reduce_min3A_40 : vector<256xf32> to vector<256x1xf32>
    %eq3A = vector.broadcast %broadcast_in_dim3A : vector<256x1xf32> to vector<256x8192xf32>
    %eq3A_41 = arith.cmpf oeq, %add3A_39, %eq3A : vector<256x8192xf32>
    %jit3A = arith.constant 8192 : i32
    %broadcast_in_dim3A_42 = vector.broadcast %jit3A : i32 to vector<256x8192xi32>
    %select_n3A = arith.select %eq3A_41, %iota3A, %broadcast_in_dim3A_42 : vector<256x8192xi1>, vector<256x8192xi32>
    %reduce_min3A_43 = arith.constant dense<2147483647> : vector<256xi32>
    %reduce_min3A_44 = vector.multi_reduction <minsi>, %select_n3A, %reduce_min3A_43 [1] : vector<256x8192xi32> to vector<256xi32>
    %broadcast_in_dim3A_45 = vector.shape_cast %reduce_min3A_44 : vector<256xi32> to vector<256x1xi32>
    %eq3A_46 = vector.broadcast %broadcast_in_dim3A_45 : vector<256x1xi32> to vector<256x8192xi32>
    %eq3A_47 = arith.cmpi eq, %iota3A, %eq3A_46 : vector<256x8192xi32>
    %jit3A_48 = arith.constant 3.000000e+38 : f32
    %broadcast_in_dim3A_49 = vector.broadcast %jit3A_48 : f32 to vector<256x8192xf32>
    %select_n3A_50 = arith.select %eq3A_47, %broadcast_in_dim3A_49, %add3A_39 : vector<256x8192xi1>, vector<256x8192xf32>
    %reduce_min3A_51 = arith.constant dense<0x7F800000> : vector<256xf32>
    %reduce_min3A_52 = vector.multi_reduction <minimumf>, %select_n3A_50, %reduce_min3A_51 [1] : vector<256x8192xf32> to vector<256xf32>
    %broadcast_in_dim3A_53 = vector.shape_cast %reduce_min3A_52 : vector<256xf32> to vector<256x1xf32>
    %eq3A_54 = vector.broadcast %broadcast_in_dim3A_53 : vector<256x1xf32> to vector<256x8192xf32>
    %eq3A_55 = arith.cmpf oeq, %select_n3A_50, %eq3A_54 : vector<256x8192xf32>
    %jit3A_56 = arith.constant 8192 : i32
    %broadcast_in_dim3A_57 = vector.broadcast %jit3A_56 : i32 to vector<256x8192xi32>
    %select_n3A_58 = arith.select %eq3A_55, %iota3A, %broadcast_in_dim3A_57 : vector<256x8192xi1>, vector<256x8192xi32>
    %reduce_min3A_59 = arith.constant dense<2147483647> : vector<256xi32>
    %reduce_min3A_60 = vector.multi_reduction <minsi>, %select_n3A_58, %reduce_min3A_59 [1] : vector<256x8192xi32> to vector<256xi32>
    %broadcast_in_dim3A_61 = vector.shape_cast %reduce_min3A_60 : vector<256xi32> to vector<256x1xi32>
    %eq3A_62 = vector.broadcast %broadcast_in_dim3A_61 : vector<256x1xi32> to vector<256x8192xi32>
    %eq3A_63 = arith.cmpi eq, %iota3A, %eq3A_62 : vector<256x8192xi32>
    %jit3A_64 = arith.constant 3.000000e+38 : f32
    %broadcast_in_dim3A_65 = vector.broadcast %jit3A_64 : f32 to vector<256x8192xf32>
    %select_n3A_66 = arith.select %eq3A_63, %broadcast_in_dim3A_65, %select_n3A_50 : vector<256x8192xi1>, vector<256x8192xf32>
    %reduce_min3A_67 = arith.constant dense<0x7F800000> : vector<256xf32>
    %reduce_min3A_68 = vector.multi_reduction <minimumf>, %select_n3A_66, %reduce_min3A_67 [1] : vector<256x8192xf32> to vector<256xf32>
    %broadcast_in_dim3A_69 = vector.shape_cast %reduce_min3A_68 : vector<256xf32> to vector<256x1xf32>
    %eq3A_70 = vector.broadcast %broadcast_in_dim3A_69 : vector<256x1xf32> to vector<256x8192xf32>
    %eq3A_71 = arith.cmpf oeq, %select_n3A_66, %eq3A_70 : vector<256x8192xf32>
    %jit3A_72 = arith.constant 8192 : i32
    %broadcast_in_dim3A_73 = vector.broadcast %jit3A_72 : i32 to vector<256x8192xi32>
    %select_n3A_74 = arith.select %eq3A_71, %iota3A, %broadcast_in_dim3A_73 : vector<256x8192xi1>, vector<256x8192xi32>
    %reduce_min3A_75 = arith.constant dense<2147483647> : vector<256xi32>
    %reduce_min3A_76 = vector.multi_reduction <minsi>, %select_n3A_74, %reduce_min3A_75 [1] : vector<256x8192xi32> to vector<256xi32>
    %broadcast_in_dim3A_77 = vector.shape_cast %reduce_min3A_76 : vector<256xi32> to vector<256x1xi32>
    %eq3A_78 = vector.broadcast %broadcast_in_dim3A_77 : vector<256x1xi32> to vector<256x8192xi32>
    %eq3A_79 = arith.cmpi eq, %iota3A, %eq3A_78 : vector<256x8192xi32>
    %jit3A_80 = arith.constant 3.000000e+38 : f32
    %broadcast_in_dim3A_81 = vector.broadcast %jit3A_80 : f32 to vector<256x8192xf32>
    %select_n3A_82 = arith.select %eq3A_79, %broadcast_in_dim3A_81, %select_n3A_66 : vector<256x8192xi1>, vector<256x8192xf32>
    %reduce_min3A_83 = arith.constant dense<0x7F800000> : vector<256xf32>
    %reduce_min3A_84 = vector.multi_reduction <minimumf>, %select_n3A_82, %reduce_min3A_83 [1] : vector<256x8192xf32> to vector<256xf32>
    %broadcast_in_dim3A_85 = vector.shape_cast %reduce_min3A_84 : vector<256xf32> to vector<256x1xf32>
    %eq3A_86 = vector.broadcast %broadcast_in_dim3A_85 : vector<256x1xf32> to vector<256x8192xf32>
    %eq3A_87 = arith.cmpf oeq, %select_n3A_82, %eq3A_86 : vector<256x8192xf32>
    %jit3A_88 = arith.constant 8192 : i32
    %broadcast_in_dim3A_89 = vector.broadcast %jit3A_88 : i32 to vector<256x8192xi32>
    %select_n3A_90 = arith.select %eq3A_87, %iota3A, %broadcast_in_dim3A_89 : vector<256x8192xi1>, vector<256x8192xi32>
    %reduce_min3A_91 = arith.constant dense<2147483647> : vector<256xi32>
    %reduce_min3A_92 = vector.multi_reduction <minsi>, %select_n3A_90, %reduce_min3A_91 [1] : vector<256x8192xi32> to vector<256xi32>
    %broadcast_in_dim3A_93 = vector.shape_cast %reduce_min3A_92 : vector<256xi32> to vector<256x1xi32>
    %eq3A_94 = vector.broadcast %broadcast_in_dim3A_93 : vector<256x1xi32> to vector<256x8192xi32>
    %eq3A_95 = arith.cmpi eq, %iota3A, %eq3A_94 : vector<256x8192xi32>
    %jit3A_96 = arith.constant 3.000000e+38 : f32
    %broadcast_in_dim3A_97 = vector.broadcast %jit3A_96 : f32 to vector<256x8192xf32>
    %select_n3A_98 = arith.select %eq3A_95, %broadcast_in_dim3A_97, %select_n3A_82 : vector<256x8192xi1>, vector<256x8192xf32>
    %reduce_min3A_99 = arith.constant dense<0x7F800000> : vector<256xf32>
    %reduce_min3A_100 = vector.multi_reduction <minimumf>, %select_n3A_98, %reduce_min3A_99 [1] : vector<256x8192xf32> to vector<256xf32>
    %broadcast_in_dim3A_101 = vector.shape_cast %reduce_min3A_100 : vector<256xf32> to vector<256x1xf32>
    %eq3A_102 = vector.broadcast %broadcast_in_dim3A_101 : vector<256x1xf32> to vector<256x8192xf32>
    %eq3A_103 = arith.cmpf oeq, %select_n3A_98, %eq3A_102 : vector<256x8192xf32>
    %jit3A_104 = arith.constant 8192 : i32
    %broadcast_in_dim3A_105 = vector.broadcast %jit3A_104 : i32 to vector<256x8192xi32>
    %select_n3A_106 = arith.select %eq3A_103, %iota3A, %broadcast_in_dim3A_105 : vector<256x8192xi1>, vector<256x8192xi32>
    %reduce_min3A_107 = arith.constant dense<2147483647> : vector<256xi32>
    %reduce_min3A_108 = vector.multi_reduction <minsi>, %select_n3A_106, %reduce_min3A_107 [1] : vector<256x8192xi32> to vector<256xi32>
    %broadcast_in_dim3A_109 = vector.shape_cast %reduce_min3A_108 : vector<256xi32> to vector<256x1xi32>
    %eq3A_110 = vector.broadcast %broadcast_in_dim3A_109 : vector<256x1xi32> to vector<256x8192xi32>
    %eq3A_111 = arith.cmpi eq, %iota3A, %eq3A_110 : vector<256x8192xi32>
    %jit3A_112 = arith.constant 3.000000e+38 : f32
    %broadcast_in_dim3A_113 = vector.broadcast %jit3A_112 : f32 to vector<256x8192xf32>
    %select_n3A_114 = arith.select %eq3A_111, %broadcast_in_dim3A_113, %select_n3A_98 : vector<256x8192xi1>, vector<256x8192xf32>
    %reduce_min3A_115 = arith.constant dense<0x7F800000> : vector<256xf32>
    %reduce_min3A_116 = vector.multi_reduction <minimumf>, %select_n3A_114, %reduce_min3A_115 [1] : vector<256x8192xf32> to vector<256xf32>
    %broadcast_in_dim3A_117 = vector.shape_cast %reduce_min3A_116 : vector<256xf32> to vector<256x1xf32>
    %eq3A_118 = vector.broadcast %broadcast_in_dim3A_117 : vector<256x1xf32> to vector<256x8192xf32>
    %eq3A_119 = arith.cmpf oeq, %select_n3A_114, %eq3A_118 : vector<256x8192xf32>
    %jit3A_120 = arith.constant 8192 : i32
    %broadcast_in_dim3A_121 = vector.broadcast %jit3A_120 : i32 to vector<256x8192xi32>
    %select_n3A_122 = arith.select %eq3A_119, %iota3A, %broadcast_in_dim3A_121 : vector<256x8192xi1>, vector<256x8192xi32>
    %reduce_min3A_123 = arith.constant dense<2147483647> : vector<256xi32>
    %reduce_min3A_124 = vector.multi_reduction <minsi>, %select_n3A_122, %reduce_min3A_123 [1] : vector<256x8192xi32> to vector<256xi32>
    %broadcast_in_dim3A_125 = vector.shape_cast %reduce_min3A_124 : vector<256xi32> to vector<256x1xi32>
    %eq3A_126 = vector.broadcast %broadcast_in_dim3A_125 : vector<256x1xi32> to vector<256x8192xi32>
    %eq3A_127 = arith.cmpi eq, %iota3A, %eq3A_126 : vector<256x8192xi32>
    %jit3A_128 = arith.constant 3.000000e+38 : f32
    %broadcast_in_dim3A_129 = vector.broadcast %jit3A_128 : f32 to vector<256x8192xf32>
    %select_n3A_130 = arith.select %eq3A_127, %broadcast_in_dim3A_129, %select_n3A_114 : vector<256x8192xi1>, vector<256x8192xf32>
    %reduce_min3A_131 = arith.constant dense<0x7F800000> : vector<256xf32>
    %reduce_min3A_132 = vector.multi_reduction <minimumf>, %select_n3A_130, %reduce_min3A_131 [1] : vector<256x8192xf32> to vector<256xf32>
    %broadcast_in_dim3A_133 = vector.shape_cast %reduce_min3A_132 : vector<256xf32> to vector<256x1xf32>
    %eq3A_134 = vector.broadcast %broadcast_in_dim3A_133 : vector<256x1xf32> to vector<256x8192xf32>
    %eq3A_135 = arith.cmpf oeq, %select_n3A_130, %eq3A_134 : vector<256x8192xf32>
    %jit3A_136 = arith.constant 8192 : i32
    %broadcast_in_dim3A_137 = vector.broadcast %jit3A_136 : i32 to vector<256x8192xi32>
    %select_n3A_138 = arith.select %eq3A_135, %iota3A, %broadcast_in_dim3A_137 : vector<256x8192xi1>, vector<256x8192xi32>
    %reduce_min3A_139 = arith.constant dense<2147483647> : vector<256xi32>
    %reduce_min3A_140 = vector.multi_reduction <minsi>, %select_n3A_138, %reduce_min3A_139 [1] : vector<256x8192xi32> to vector<256xi32>
    %broadcast_in_dim3A_141 = vector.shape_cast %reduce_min3A_140 : vector<256xi32> to vector<256x1xi32>
    %eq3A_142 = vector.broadcast %broadcast_in_dim3A_141 : vector<256x1xi32> to vector<256x8192xi32>
    %eq3A_143 = arith.cmpi eq, %iota3A, %eq3A_142 : vector<256x8192xi32>
    %jit3A_144 = arith.constant 3.000000e+38 : f32
    %broadcast_in_dim3A_145 = vector.broadcast %jit3A_144 : f32 to vector<256x8192xf32>
    %select_n3A_146 = arith.select %eq3A_143, %broadcast_in_dim3A_145, %select_n3A_130 : vector<256x8192xi1>, vector<256x8192xf32>
    %reduce_min3A_147 = arith.constant dense<0x7F800000> : vector<256xf32>
    %reduce_min3A_148 = vector.multi_reduction <minimumf>, %select_n3A_146, %reduce_min3A_147 [1] : vector<256x8192xf32> to vector<256xf32>
    %broadcast_in_dim3A_149 = vector.shape_cast %reduce_min3A_148 : vector<256xf32> to vector<256x1xf32>
    %eq3A_150 = vector.broadcast %broadcast_in_dim3A_149 : vector<256x1xf32> to vector<256x8192xf32>
    %eq3A_151 = arith.cmpf oeq, %select_n3A_146, %eq3A_150 : vector<256x8192xf32>
    %jit3A_152 = arith.constant 8192 : i32
    %broadcast_in_dim3A_153 = vector.broadcast %jit3A_152 : i32 to vector<256x8192xi32>
    %select_n3A_154 = arith.select %eq3A_151, %iota3A, %broadcast_in_dim3A_153 : vector<256x8192xi1>, vector<256x8192xi32>
    %reduce_min3A_155 = arith.constant dense<2147483647> : vector<256xi32>
    %reduce_min3A_156 = vector.multi_reduction <minsi>, %select_n3A_154, %reduce_min3A_155 [1] : vector<256x8192xi32> to vector<256xi32>
    %broadcast_in_dim3A_157 = vector.shape_cast %reduce_min3A_156 : vector<256xi32> to vector<256x1xi32>
    %eq3A_158 = vector.broadcast %broadcast_in_dim3A_157 : vector<256x1xi32> to vector<256x8192xi32>
    %eq3A_159 = arith.cmpi eq, %iota3A, %eq3A_158 : vector<256x8192xi32>
    %jit3A_160 = arith.constant 3.000000e+38 : f32
    %broadcast_in_dim3A_161 = vector.broadcast %jit3A_160 : f32 to vector<256x8192xf32>
    %select_n3A_162 = arith.select %eq3A_159, %broadcast_in_dim3A_161, %select_n3A_146 : vector<256x8192xi1>, vector<256x8192xf32>
    %reduce_min3A_163 = arith.constant dense<0x7F800000> : vector<256xf32>
    %reduce_min3A_164 = vector.multi_reduction <minimumf>, %select_n3A_162, %reduce_min3A_163 [1] : vector<256x8192xf32> to vector<256xf32>
    %broadcast_in_dim3A_165 = vector.shape_cast %reduce_min3A_164 : vector<256xf32> to vector<256x1xf32>
    %eq3A_166 = vector.broadcast %broadcast_in_dim3A_165 : vector<256x1xf32> to vector<256x8192xf32>
    %eq3A_167 = arith.cmpf oeq, %select_n3A_162, %eq3A_166 : vector<256x8192xf32>
    %jit3A_168 = arith.constant 8192 : i32
    %broadcast_in_dim3A_169 = vector.broadcast %jit3A_168 : i32 to vector<256x8192xi32>
    %select_n3A_170 = arith.select %eq3A_167, %iota3A, %broadcast_in_dim3A_169 : vector<256x8192xi1>, vector<256x8192xi32>
    %reduce_min3A_171 = arith.constant dense<2147483647> : vector<256xi32>
    %reduce_min3A_172 = vector.multi_reduction <minsi>, %select_n3A_170, %reduce_min3A_171 [1] : vector<256x8192xi32> to vector<256xi32>
    %broadcast_in_dim3A_173 = vector.shape_cast %reduce_min3A_172 : vector<256xi32> to vector<256x1xi32>
    %eq3A_174 = vector.broadcast %broadcast_in_dim3A_173 : vector<256x1xi32> to vector<256x8192xi32>
    %eq3A_175 = arith.cmpi eq, %iota3A, %eq3A_174 : vector<256x8192xi32>
    %jit3A_176 = arith.constant 3.000000e+38 : f32
    %broadcast_in_dim3A_177 = vector.broadcast %jit3A_176 : f32 to vector<256x8192xf32>
    %select_n3A_178 = arith.select %eq3A_175, %broadcast_in_dim3A_177, %select_n3A_162 : vector<256x8192xi1>, vector<256x8192xf32>
    %reduce_min3A_179 = arith.constant dense<0x7F800000> : vector<256xf32>
    %reduce_min3A_180 = vector.multi_reduction <minimumf>, %select_n3A_178, %reduce_min3A_179 [1] : vector<256x8192xf32> to vector<256xf32>
    %broadcast_in_dim3A_181 = vector.shape_cast %reduce_min3A_180 : vector<256xf32> to vector<256x1xf32>
    %eq3A_182 = vector.broadcast %broadcast_in_dim3A_181 : vector<256x1xf32> to vector<256x8192xf32>
    %eq3A_183 = arith.cmpf oeq, %select_n3A_178, %eq3A_182 : vector<256x8192xf32>
    %jit3A_184 = arith.constant 8192 : i32
    %broadcast_in_dim3A_185 = vector.broadcast %jit3A_184 : i32 to vector<256x8192xi32>
    %select_n3A_186 = arith.select %eq3A_183, %iota3A, %broadcast_in_dim3A_185 : vector<256x8192xi1>, vector<256x8192xi32>
    %reduce_min3A_187 = arith.constant dense<2147483647> : vector<256xi32>
    %reduce_min3A_188 = vector.multi_reduction <minsi>, %select_n3A_186, %reduce_min3A_187 [1] : vector<256x8192xi32> to vector<256xi32>
    %broadcast_in_dim3A_189 = vector.shape_cast %reduce_min3A_188 : vector<256xi32> to vector<256x1xi32>
    %eq3A_190 = vector.broadcast %broadcast_in_dim3A_189 : vector<256x1xi32> to vector<256x8192xi32>
    %eq3A_191 = arith.cmpi eq, %iota3A, %eq3A_190 : vector<256x8192xi32>
    %jit3A_192 = arith.constant 3.000000e+38 : f32
    %broadcast_in_dim3A_193 = vector.broadcast %jit3A_192 : f32 to vector<256x8192xf32>
    %select_n3A_194 = arith.select %eq3A_191, %broadcast_in_dim3A_193, %select_n3A_178 : vector<256x8192xi1>, vector<256x8192xf32>
    %reduce_min3A_195 = arith.constant dense<0x7F800000> : vector<256xf32>
    %reduce_min3A_196 = vector.multi_reduction <minimumf>, %select_n3A_194, %reduce_min3A_195 [1] : vector<256x8192xf32> to vector<256xf32>
    %broadcast_in_dim3A_197 = vector.shape_cast %reduce_min3A_196 : vector<256xf32> to vector<256x1xf32>
    %eq3A_198 = vector.broadcast %broadcast_in_dim3A_197 : vector<256x1xf32> to vector<256x8192xf32>
    %eq3A_199 = arith.cmpf oeq, %select_n3A_194, %eq3A_198 : vector<256x8192xf32>
    %jit3A_200 = arith.constant 8192 : i32
    %broadcast_in_dim3A_201 = vector.broadcast %jit3A_200 : i32 to vector<256x8192xi32>
    %select_n3A_202 = arith.select %eq3A_199, %iota3A, %broadcast_in_dim3A_201 : vector<256x8192xi1>, vector<256x8192xi32>
    %reduce_min3A_203 = arith.constant dense<2147483647> : vector<256xi32>
    %reduce_min3A_204 = vector.multi_reduction <minsi>, %select_n3A_202, %reduce_min3A_203 [1] : vector<256x8192xi32> to vector<256xi32>
    %broadcast_in_dim3A_205 = vector.shape_cast %reduce_min3A_204 : vector<256xi32> to vector<256x1xi32>
    %eq3A_206 = vector.broadcast %broadcast_in_dim3A_205 : vector<256x1xi32> to vector<256x8192xi32>
    %eq3A_207 = arith.cmpi eq, %iota3A, %eq3A_206 : vector<256x8192xi32>
    %jit3A_208 = arith.constant 3.000000e+38 : f32
    %broadcast_in_dim3A_209 = vector.broadcast %jit3A_208 : f32 to vector<256x8192xf32>
    %select_n3A_210 = arith.select %eq3A_207, %broadcast_in_dim3A_209, %select_n3A_194 : vector<256x8192xi1>, vector<256x8192xf32>
    %reduce_min3A_211 = arith.constant dense<0x7F800000> : vector<256xf32>
    %reduce_min3A_212 = vector.multi_reduction <minimumf>, %select_n3A_210, %reduce_min3A_211 [1] : vector<256x8192xf32> to vector<256xf32>
    %broadcast_in_dim3A_213 = vector.shape_cast %reduce_min3A_212 : vector<256xf32> to vector<256x1xf32>
    %eq3A_214 = vector.broadcast %broadcast_in_dim3A_213 : vector<256x1xf32> to vector<256x8192xf32>
    %eq3A_215 = arith.cmpf oeq, %select_n3A_210, %eq3A_214 : vector<256x8192xf32>
    %jit3A_216 = arith.constant 8192 : i32
    %broadcast_in_dim3A_217 = vector.broadcast %jit3A_216 : i32 to vector<256x8192xi32>
    %select_n3A_218 = arith.select %eq3A_215, %iota3A, %broadcast_in_dim3A_217 : vector<256x8192xi1>, vector<256x8192xi32>
    %reduce_min3A_219 = arith.constant dense<2147483647> : vector<256xi32>
    %reduce_min3A_220 = vector.multi_reduction <minsi>, %select_n3A_218, %reduce_min3A_219 [1] : vector<256x8192xi32> to vector<256xi32>
    %broadcast_in_dim3A_221 = vector.shape_cast %reduce_min3A_220 : vector<256xi32> to vector<256x1xi32>
    %eq3A_222 = vector.broadcast %broadcast_in_dim3A_221 : vector<256x1xi32> to vector<256x8192xi32>
    %eq3A_223 = arith.cmpi eq, %iota3A, %eq3A_222 : vector<256x8192xi32>
    %jit3A_224 = arith.constant 3.000000e+38 : f32
    %broadcast_in_dim3A_225 = vector.broadcast %jit3A_224 : f32 to vector<256x8192xf32>
    %select_n3A_226 = arith.select %eq3A_223, %broadcast_in_dim3A_225, %select_n3A_210 : vector<256x8192xi1>, vector<256x8192xf32>
    %reduce_min3A_227 = arith.constant dense<0x7F800000> : vector<256xf32>
    %reduce_min3A_228 = vector.multi_reduction <minimumf>, %select_n3A_226, %reduce_min3A_227 [1] : vector<256x8192xf32> to vector<256xf32>
    %broadcast_in_dim3A_229 = vector.shape_cast %reduce_min3A_228 : vector<256xf32> to vector<256x1xf32>
    %eq3A_230 = vector.broadcast %broadcast_in_dim3A_229 : vector<256x1xf32> to vector<256x8192xf32>
    %eq3A_231 = arith.cmpf oeq, %select_n3A_226, %eq3A_230 : vector<256x8192xf32>
    %jit3A_232 = arith.constant 8192 : i32
    %broadcast_in_dim3A_233 = vector.broadcast %jit3A_232 : i32 to vector<256x8192xi32>
    %select_n3A_234 = arith.select %eq3A_231, %iota3A, %broadcast_in_dim3A_233 : vector<256x8192xi1>, vector<256x8192xi32>
    %reduce_min3A_235 = arith.constant dense<2147483647> : vector<256xi32>
    %reduce_min3A_236 = vector.multi_reduction <minsi>, %select_n3A_234, %reduce_min3A_235 [1] : vector<256x8192xi32> to vector<256xi32>
    %broadcast_in_dim3A_237 = vector.shape_cast %reduce_min3A_236 : vector<256xi32> to vector<256x1xi32>
    %eq3A_238 = vector.broadcast %broadcast_in_dim3A_237 : vector<256x1xi32> to vector<256x8192xi32>
    %eq3A_239 = arith.cmpi eq, %iota3A, %eq3A_238 : vector<256x8192xi32>
    %jit3A_240 = arith.constant 3.000000e+38 : f32
    %broadcast_in_dim3A_241 = vector.broadcast %jit3A_240 : f32 to vector<256x8192xf32>
    %select_n3A_242 = arith.select %eq3A_239, %broadcast_in_dim3A_241, %select_n3A_226 : vector<256x8192xi1>, vector<256x8192xf32>
    %reduce_min3A_243 = arith.constant dense<0x7F800000> : vector<256xf32>
    %reduce_min3A_244 = vector.multi_reduction <minimumf>, %select_n3A_242, %reduce_min3A_243 [1] : vector<256x8192xf32> to vector<256xf32>
    %broadcast_in_dim3A_245 = vector.shape_cast %reduce_min3A_244 : vector<256xf32> to vector<256x1xf32>
    %eq3A_246 = vector.broadcast %broadcast_in_dim3A_245 : vector<256x1xf32> to vector<256x8192xf32>
    %eq3A_247 = arith.cmpf oeq, %select_n3A_242, %eq3A_246 : vector<256x8192xf32>
    %jit3A_248 = arith.constant 8192 : i32
    %broadcast_in_dim3A_249 = vector.broadcast %jit3A_248 : i32 to vector<256x8192xi32>
    %select_n3A_250 = arith.select %eq3A_247, %iota3A, %broadcast_in_dim3A_249 : vector<256x8192xi1>, vector<256x8192xi32>
    %reduce_min3A_251 = arith.constant dense<2147483647> : vector<256xi32>
    %reduce_min3A_252 = vector.multi_reduction <minsi>, %select_n3A_250, %reduce_min3A_251 [1] : vector<256x8192xi32> to vector<256xi32>
    %broadcast_in_dim3A_253 = vector.shape_cast %reduce_min3A_252 : vector<256xi32> to vector<256x1xi32>
    %eq3A_254 = vector.broadcast %broadcast_in_dim3A_253 : vector<256x1xi32> to vector<256x8192xi32>
    %eq3A_255 = arith.cmpi eq, %iota3A, %eq3A_254 : vector<256x8192xi32>
    %jit3A_256 = arith.constant 3.000000e+38 : f32
    %broadcast_in_dim3A_257 = vector.broadcast %jit3A_256 : f32 to vector<256x8192xf32>
    %select_n3A_258 = arith.select %eq3A_255, %broadcast_in_dim3A_257, %select_n3A_242 : vector<256x8192xi1>, vector<256x8192xf32>
    %reduce_min3A_259 = arith.constant dense<0x7F800000> : vector<256xf32>
    %reduce_min3A_260 = vector.multi_reduction <minimumf>, %select_n3A_258, %reduce_min3A_259 [1] : vector<256x8192xf32> to vector<256xf32>
    %broadcast_in_dim3A_261 = vector.shape_cast %reduce_min3A_260 : vector<256xf32> to vector<256x1xf32>
    %eq3A_262 = vector.broadcast %broadcast_in_dim3A_261 : vector<256x1xf32> to vector<256x8192xf32>
    %eq3A_263 = arith.cmpf oeq, %select_n3A_258, %eq3A_262 : vector<256x8192xf32>
    %jit3A_264 = arith.constant 8192 : i32
    %broadcast_in_dim3A_265 = vector.broadcast %jit3A_264 : i32 to vector<256x8192xi32>
    %select_n3A_266 = arith.select %eq3A_263, %iota3A, %broadcast_in_dim3A_265 : vector<256x8192xi1>, vector<256x8192xi32>
    %reduce_min3A_267 = arith.constant dense<2147483647> : vector<256xi32>
    %reduce_min3A_268 = vector.multi_reduction <minsi>, %select_n3A_266, %reduce_min3A_267 [1] : vector<256x8192xi32> to vector<256xi32>
    %broadcast_in_dim3A_269 = vector.shape_cast %reduce_min3A_268 : vector<256xi32> to vector<256x1xi32>
    %eq3A_270 = vector.broadcast %broadcast_in_dim3A_269 : vector<256x1xi32> to vector<256x8192xi32>
    %eq3A_271 = arith.cmpi eq, %iota3A, %eq3A_270 : vector<256x8192xi32>
    %jit3A_272 = arith.constant 3.000000e+38 : f32
    %broadcast_in_dim3A_273 = vector.broadcast %jit3A_272 : f32 to vector<256x8192xf32>
    %select_n3A_274 = arith.select %eq3A_271, %broadcast_in_dim3A_273, %select_n3A_258 : vector<256x8192xi1>, vector<256x8192xf32>
    %reduce_min3A_275 = arith.constant dense<0x7F800000> : vector<256xf32>
    %reduce_min3A_276 = vector.multi_reduction <minimumf>, %select_n3A_274, %reduce_min3A_275 [1] : vector<256x8192xf32> to vector<256xf32>
    %broadcast_in_dim3A_277 = vector.shape_cast %reduce_min3A_276 : vector<256xf32> to vector<256x1xf32>
    %eq3A_278 = vector.broadcast %broadcast_in_dim3A_277 : vector<256x1xf32> to vector<256x8192xf32>
    %eq3A_279 = arith.cmpf oeq, %select_n3A_274, %eq3A_278 : vector<256x8192xf32>
    %jit3A_280 = arith.constant 8192 : i32
    %broadcast_in_dim3A_281 = vector.broadcast %jit3A_280 : i32 to vector<256x8192xi32>
    %select_n3A_282 = arith.select %eq3A_279, %iota3A, %broadcast_in_dim3A_281 : vector<256x8192xi1>, vector<256x8192xi32>
    %reduce_min3A_283 = arith.constant dense<2147483647> : vector<256xi32>
    %reduce_min3A_284 = vector.multi_reduction <minsi>, %select_n3A_282, %reduce_min3A_283 [1] : vector<256x8192xi32> to vector<256xi32>
    %broadcast_in_dim3A_285 = vector.shape_cast %reduce_min3A_284 : vector<256xi32> to vector<256x1xi32>
    %concatenate3A = tpu.concatenate %broadcast_in_dim3A_45, %broadcast_in_dim3A_61, %broadcast_in_dim3A_77, %broadcast_in_dim3A_93, %broadcast_in_dim3A_109, %broadcast_in_dim3A_125, %broadcast_in_dim3A_141, %broadcast_in_dim3A_157, %broadcast_in_dim3A_173, %broadcast_in_dim3A_189, %broadcast_in_dim3A_205, %broadcast_in_dim3A_221, %broadcast_in_dim3A_237, %broadcast_in_dim3A_253, %broadcast_in_dim3A_269, %broadcast_in_dim3A_285 in 1 : vector<256x1xi32>, vector<256x1xi32>, vector<256x1xi32>, vector<256x1xi32>, vector<256x1xi32>, vector<256x1xi32>, vector<256x1xi32>, vector<256x1xi32>, vector<256x1xi32>, vector<256x1xi32>, vector<256x1xi32>, vector<256x1xi32>, vector<256x1xi32>, vector<256x1xi32>, vector<256x1xi32>, vector<256x1xi32> -> vector<256x16xi32>
    %mul3A_286 = arith.constant 8192 : i32
    %mul3A_287 = arith.muli %arg0, %mul3A_286 : i32
    %add3A_288 = vector.broadcast %mul3A_287 : i32 to vector<256x16xi32>
    %add3A_289 = arith.addi %concatenate3A, %add3A_288 : vector<256x16xi32>
    %swap3A = arith.constant 0 : index
    %swap3A_290 = arith.constant 0 : index
    %swap3A_291 = arith.constant 0 : index
    %swap3A_292 = vector.load %arg4[%swap3A, %swap3A_290, %swap3A_291] : memref<1x256x16xi32, #tpu.memory_space<vmem>>, vector<1x256x16xi32>
    %swap3A_293 = vector.shape_cast %swap3A_292 : vector<1x256x16xi32> to vector<256x16xi32>
    %swap3A_294 = vector.shape_cast %add3A_289 : vector<256x16xi32> to vector<1x256x16xi32>
    tpu.vector_store %arg4[%swap3A, %swap3A_290, %swap3A_291], %swap3A_294 {strides = array<i32>} : memref<1x256x16xi32, #tpu.memory_space<vmem>>, vector<1x256x16xi32>,
    return
  }
  func.func @transform_0(%arg0: i32, %arg1: i32) -> (i32, i32, i32) {
    %c0_i32 = arith.constant 0 : i32
    %c0_i32_0 = arith.constant 0 : i32
    return %arg0, %arg1, %c0_i32 : i32, i32, i32
  }
  func.func @transform_1(%arg0: i32, %arg1: i32) -> (i32, i32, i32) {
    %c0_i32 = arith.constant 0 : i32
    %c0_i32_0 = arith.constant 0 : i32
    %c0_i32_1 = arith.constant 0 : i32
    return %arg0, %c0_i32, %c0_i32_0 : i32, i32, i32
  }
  func.func @transform_2(%arg0: i32, %arg1: i32) -> (i32, i32, i32) {
    %c0_i32 = arith.constant 0 : i32
    %c0_i32_0 = arith.constant 0 : i32
    return %arg0, %arg1, %c0_i32 : i32, i32, i32
  }
}

module attributes {stable_mosaic.version = 14 : i64} {
  func.func @_stats_body(%arg0: i32, %arg1: memref<4096x128xf32, #tpu.memory_space<vmem>>, %arg2: memref<2x128xf32, #tpu.memory_space<vmem>>, %arg3: memref<1x128xf32, #tpu.memory_space<vmem>>, %arg4: memref<1x128xf32, #tpu.memory_space<vmem>>) attributes {dimension_semantics = [#tpu.dimension_semantics<arbitrary>], iteration_bounds = array<i64: 16>, scalar_prefetch = 0 : i64, scratch_operands = 2 : i64, tpu.core_type = #tpu.core_type<tc>, window_params = [{transform_indices = @transform_0, window_bounds = array<i64: 4096, 128>}, {pipeline_mode = #tpu.pipeline_mode<synchronous>, transform_indices = @transform_1, window_bounds = array<i64: 2, 128>}]} {
    %eq3A = arith.constant 0 : i32
    %eq3A_0 = arith.cmpi eq, %arg0, %eq3A : i32
    %convert_element_type3A = arith.extui %eq3A_0 : i1 to i32
    %cond3A = arith.constant 0 : i32
    %cond3A_1 = arith.cmpi ne, %convert_element_type3A, %cond3A : i32
    scf.if %cond3A_1 {
      %broadcast_in_dim3A_25 = arith.constant 0.000000e+00 : f32
      %broadcast_in_dim3A_26 = vector.broadcast %broadcast_in_dim3A_25 : f32 to vector<1x128xf32>
      %swap3A_27 = arith.constant 0 : index
      %swap3A_28 = arith.constant 0 : index
      %swap3A_29 = vector.load %arg3[%swap3A_27, %swap3A_28] : memref<1x128xf32, #tpu.memory_space<vmem>>, vector<1x128xf32>
      tpu.vector_store %arg3[%swap3A_27, %swap3A_28], %broadcast_in_dim3A_26 {strides = array<i32>} : memref<1x128xf32, #tpu.memory_space<vmem>>, vector<1x128xf32>,
      %broadcast_in_dim3A_30 = arith.constant 0.000000e+00 : f32
      %broadcast_in_dim3A_31 = vector.broadcast %broadcast_in_dim3A_30 : f32 to vector<1x128xf32>
      %swap3A_32 = arith.constant 0 : index
      %swap3A_33 = arith.constant 0 : index
      %swap3A_34 = vector.load %arg4[%swap3A_32, %swap3A_33] : memref<1x128xf32, #tpu.memory_space<vmem>>, vector<1x128xf32>
      tpu.vector_store %arg4[%swap3A_32, %swap3A_33], %broadcast_in_dim3A_31 {strides = array<i32>} : memref<1x128xf32, #tpu.memory_space<vmem>>, vector<1x128xf32>,
    } else {
    }
    %get3A = arith.constant 0 : index
    %get3A_2 = arith.constant 0 : index
    %get3A_3 = vector.load %arg1[%get3A, %get3A_2] : memref<4096x128xf32, #tpu.memory_space<vmem>>, vector<4096x128xf32>
    %get3A_4 = arith.constant 0 : index
    %get3A_5 = arith.constant 0 : index
    %get3A_6 = vector.load %arg3[%get3A_4, %get3A_5] : memref<1x128xf32, #tpu.memory_space<vmem>>, vector<1x128xf32>
    %reduce_sum3A = arith.constant dense<0.000000e+00> : vector<128xf32>
    %reduce_sum3A_7 = vector.multi_reduction <add>, %get3A_3, %reduce_sum3A [0] : vector<4096x128xf32> to vector<128xf32>
    %broadcast_in_dim3A = vector.shape_cast %reduce_sum3A_7 : vector<128xf32> to vector<1x128xf32>
    %add3A = arith.addf %get3A_6, %broadcast_in_dim3A : vector<1x128xf32>
    %swap3A = arith.constant 0 : index
    %swap3A_8 = arith.constant 0 : index
    %swap3A_9 = vector.load %arg3[%swap3A, %swap3A_8] : memref<1x128xf32, #tpu.memory_space<vmem>>, vector<1x128xf32>
    tpu.vector_store %arg3[%swap3A, %swap3A_8], %add3A {strides = array<i32>} : memref<1x128xf32, #tpu.memory_space<vmem>>, vector<1x128xf32>,
    %get3A_10 = arith.constant 0 : index
    %get3A_11 = arith.constant 0 : index
    %get3A_12 = vector.load %arg4[%get3A_10, %get3A_11] : memref<1x128xf32, #tpu.memory_space<vmem>>, vector<1x128xf32>
    %mul3A = arith.mulf %get3A_3, %get3A_3 : vector<4096x128xf32>
    %reduce_sum3A_13 = arith.constant dense<0.000000e+00> : vector<128xf32>
    %reduce_sum3A_14 = vector.multi_reduction <add>, %mul3A, %reduce_sum3A_13 [0] : vector<4096x128xf32> to vector<128xf32>
    %broadcast_in_dim3A_15 = vector.shape_cast %reduce_sum3A_14 : vector<128xf32> to vector<1x128xf32>
    %add3A_16 = arith.addf %get3A_12, %broadcast_in_dim3A_15 : vector<1x128xf32>
    %swap3A_17 = arith.constant 0 : index
    %swap3A_18 = arith.constant 0 : index
    %swap3A_19 = vector.load %arg4[%swap3A_17, %swap3A_18] : memref<1x128xf32, #tpu.memory_space<vmem>>, vector<1x128xf32>
    tpu.vector_store %arg4[%swap3A_17, %swap3A_18], %add3A_16 {strides = array<i32>} : memref<1x128xf32, #tpu.memory_space<vmem>>, vector<1x128xf32>,
    %eq3A_20 = arith.constant 15 : i32
    %eq3A_21 = arith.cmpi eq, %arg0, %eq3A_20 : i32
    %convert_element_type3A_22 = arith.extui %eq3A_21 : i1 to i32
    %cond3A_23 = arith.constant 0 : i32
    %cond3A_24 = arith.cmpi ne, %convert_element_type3A_22, %cond3A_23 : i32
    scf.if %cond3A_24 {
      %get3A_25 = arith.constant 0 : index
      %get3A_26 = arith.constant 0 : index
      %get3A_27 = vector.load %arg3[%get3A_25, %get3A_26] : memref<1x128xf32, #tpu.memory_space<vmem>>, vector<1x128xf32>
      %swap3A_28 = arith.constant 0 : index
      %swap3A_29 = arith.constant 0 : index
      %swap3A_30 = vector.load %arg2[%swap3A_28, %swap3A_29] : memref<2x128xf32, #tpu.memory_space<vmem>>, vector<1x128xf32>
      tpu.vector_store %arg2[%swap3A_28, %swap3A_29], %get3A_27 {strides = array<i32>} : memref<2x128xf32, #tpu.memory_space<vmem>>, vector<1x128xf32>,
      %get3A_31 = arith.constant 0 : index
      %get3A_32 = arith.constant 0 : index
      %get3A_33 = vector.load %arg4[%get3A_31, %get3A_32] : memref<1x128xf32, #tpu.memory_space<vmem>>, vector<1x128xf32>
      %swap3A_34 = arith.constant 1 : index
      %swap3A_35 = arith.constant 0 : index
      %swap3A_36 = vector.load %arg2[%swap3A_34, %swap3A_35] : memref<2x128xf32, #tpu.memory_space<vmem>>, vector<1x128xf32>
      tpu.vector_store %arg2[%swap3A_34, %swap3A_35], %get3A_33 {strides = array<i32>} : memref<2x128xf32, #tpu.memory_space<vmem>>, vector<1x128xf32>,
    } else {
    }
    return
  }
  func.func @transform_0(%arg0: i32) -> (i32, i32) {
    %c0_i32 = arith.constant 0 : i32
    %c0_i32_0 = arith.constant 0 : i32
    return %arg0, %c0_i32 : i32, i32
  }
  func.func @transform_1(%arg0: i32) -> (i32, i32) {
    %c0_i32 = arith.constant 0 : i32
    %c0_i32_0 = arith.constant 0 : i32
    %c0_i32_1 = arith.constant 0 : i32
    return %c0_i32, %c0_i32_0 : i32, i32
  }
}

module attributes {stable_mosaic.version = 14 : i64} {
  func.func @_bn_body(%arg0: i32, %arg1: memref<2048x128xf32, #tpu.memory_space<vmem>>, %arg2: memref<2x128xf32, #tpu.memory_space<vmem>>, %arg3: memref<1x128xf32, #tpu.memory_space<vmem>>, %arg4: memref<1x128xf32, #tpu.memory_space<vmem>>, %arg5: memref<128x128xf32, #tpu.memory_space<vmem>>) attributes {dimension_semantics = [#tpu.dimension_semantics<arbitrary>], iteration_bounds = array<i64: 32>, scalar_prefetch = 0 : i64, scratch_operands = 0 : i64, tpu.core_type = #tpu.core_type<tc>, window_params = [{transform_indices = @transform_0, window_bounds = array<i64: 2048, 128>}, {pipeline_mode = #tpu.pipeline_mode<synchronous>, transform_indices = @transform_1, window_bounds = array<i64: 2, 128>}, {pipeline_mode = #tpu.pipeline_mode<synchronous>, transform_indices = @transform_2, window_bounds = array<i64: 1, 128>}, {pipeline_mode = #tpu.pipeline_mode<synchronous>, transform_indices = @transform_3, window_bounds = array<i64: 1, 128>}, {transform_indices = @transform_4, window_bounds = array<i64: 128, 128>}]} {
    %get3A = arith.constant 0 : index
    %get3A_0 = arith.constant 0 : index
    %get3A_1 = vector.load %arg2[%get3A, %get3A_0] : memref<2x128xf32, #tpu.memory_space<vmem>>, vector<1x128xf32>
    %get3A_2 = arith.constant 1 : index
    %get3A_3 = arith.constant 0 : index
    %get3A_4 = vector.load %arg2[%get3A_2, %get3A_3] : memref<2x128xf32, #tpu.memory_space<vmem>>, vector<1x128xf32>
    %mul3A = arith.constant 1.52587891E-5 : f32
    %mul3A_5 = vector.broadcast %mul3A : f32 to vector<1x128xf32>
    %mul3A_6 = arith.mulf %get3A_1, %mul3A_5 : vector<1x128xf32>
    %mul3A_7 = arith.constant 1.52587891E-5 : f32
    %mul3A_8 = vector.broadcast %mul3A_7 : f32 to vector<1x128xf32>
    %mul3A_9 = arith.mulf %get3A_4, %mul3A_8 : vector<1x128xf32>
    %mul3A_10 = arith.mulf %mul3A_6, %mul3A_6 : vector<1x128xf32>
    %sub3A = arith.subf %mul3A_9, %mul3A_10 : vector<1x128xf32>
    %add3A = arith.constant 9.99999974E-6 : f32
    %add3A_11 = vector.broadcast %add3A : f32 to vector<1x128xf32>
    %add3A_12 = arith.addf %sub3A, %add3A_11 : vector<1x128xf32>
    %rsqrt3A = math.rsqrt %add3A_12 : vector<1x128xf32>
    %get3A_13 = arith.constant 0 : index
    %get3A_14 = arith.constant 0 : index
    %get3A_15 = vector.load %arg3[%get3A_13, %get3A_14] : memref<1x128xf32, #tpu.memory_space<vmem>>, vector<1x128xf32>
    %mul3A_16 = arith.mulf %rsqrt3A, %get3A_15 : vector<1x128xf32>
    %get3A_17 = arith.constant 0 : index
    %get3A_18 = arith.constant 0 : index
    %get3A_19 = vector.load %arg4[%get3A_17, %get3A_18] : memref<1x128xf32, #tpu.memory_space<vmem>>, vector<1x128xf32>
    %mul3A_20 = arith.mulf %mul3A_6, %mul3A_16 : vector<1x128xf32>
    %sub3A_21 = arith.subf %get3A_19, %mul3A_20 : vector<1x128xf32>
    %get3A_22 = arith.constant 0 : index
    %get3A_23 = arith.constant 0 : index
    %get3A_24 = vector.load %arg1[%get3A_22, %get3A_23] : memref<2048x128xf32, #tpu.memory_space<vmem>>, vector<2048x128xf32>
    %mul3A_25 = vector.broadcast %mul3A_16 : vector<1x128xf32> to vector<2048x128xf32>
    %mul3A_26 = arith.mulf %get3A_24, %mul3A_25 : vector<2048x128xf32>
    %add3A_27 = vector.broadcast %sub3A_21 : vector<1x128xf32> to vector<2048x128xf32>
    %add3A_28 = arith.addf %mul3A_26, %add3A_27 : vector<2048x128xf32>
    %mul3A_29 = arith.constant 5.000000e-01 : f32
    %mul3A_30 = vector.broadcast %mul3A_29 : f32 to vector<2048x128xf32>
    %mul3A_31 = arith.mulf %add3A_28, %mul3A_30 : vector<2048x128xf32>
    %mul3A_32 = arith.constant 0.707106769 : f32
    %mul3A_33 = vector.broadcast %mul3A_32 : f32 to vector<2048x128xf32>
    %mul3A_34 = arith.mulf %add3A_28, %mul3A_33 : vector<2048x128xf32>
    %erf3A = math.erf %mul3A_34 : vector<2048x128xf32>
    %add3A_35 = arith.constant 1.000000e+00 : f32
    %add3A_36 = vector.broadcast %add3A_35 : f32 to vector<2048x128xf32>
    %add3A_37 = arith.addf %add3A_36, %erf3A : vector<2048x128xf32>
    %mul3A_38 = arith.mulf %mul3A_31, %add3A_37 : vector<2048x128xf32>
    %reshape3A = vector.shape_cast %mul3A_38 : vector<2048x128xf32> to vector<128x16x128xf32>
    %reduce_max3A = arith.constant dense<0xFF800000> : vector<128x128xf32>
    %reduce_max3A_39 = vector.multi_reduction <maximumf>, %reshape3A, %reduce_max3A [1] : vector<128x16x128xf32> to vector<128x128xf32>
    %swap3A = arith.constant 0 : index
    %swap3A_40 = arith.constant 0 : index
    %swap3A_41 = vector.load %arg5[%swap3A, %swap3A_40] : memref<128x128xf32, #tpu.memory_space<vmem>>, vector<128x128xf32>
    tpu.vector_store %arg5[%swap3A, %swap3A_40], %reduce_max3A_39 {strides = array<i32>} : memref<128x128xf32, #tpu.memory_space<vmem>>, vector<128x128xf32>,
    return
  }
  func.func @transform_0(%arg0: i32) -> (i32, i32) {
    %c0_i32 = arith.constant 0 : i32
    %c0_i32_0 = arith.constant 0 : i32
    return %arg0, %c0_i32 : i32, i32
  }
  func.func @transform_1(%arg0: i32) -> (i32, i32) {
    %c0_i32 = arith.constant 0 : i32
    %c0_i32_0 = arith.constant 0 : i32
    %c0_i32_1 = arith.constant 0 : i32
    return %c0_i32, %c0_i32_0 : i32, i32
  }
  func.func @transform_2(%arg0: i32) -> (i32, i32) {
    %c0_i32 = arith.constant 0 : i32
    %c0_i32_0 = arith.constant 0 : i32
    %c0_i32_1 = arith.constant 0 : i32
    return %c0_i32, %c0_i32_0 : i32, i32
  }
  func.func @transform_3(%arg0: i32) -> (i32, i32) {
    %c0_i32 = arith.constant 0 : i32
    %c0_i32_0 = arith.constant 0 : i32
    %c0_i32_1 = arith.constant 0 : i32
    return %c0_i32, %c0_i32_0 : i32, i32
  }
  func.func @transform_4(%arg0: i32) -> (i32, i32) {
    %c0_i32 = arith.constant 0 : i32
    %c0_i32_0 = arith.constant 0 : i32
    return %arg0, %c0_i32 : i32, i32
  }
}

</mosaic_0001>

<sc_bundles>
// kernel: kernel.8.cloned.1.call-start
scs
__scs_entry_jumppad:
0x0: {  	(pc) =	sbr.rel $0x88, $3  }
0x1: {  	(tag) =	ssettag $0x0;
	lr =	simm.s32 $0x1  }
0x2: {  	[smem:$0x3F9C] =	sst lr;
	_ =	strace $0xD0000000  }
0x3: {  	_ = 	snop  }
0x4: {  	_ = 	snop  }
0x5: {  	_ = 	snop  }
0x6: {  	_ = 	snop  }
0x7: {  	_ = 	snop  }
__scs_overlays_trampoline_lowered:
0x8: {  	[smem:$0x3FAB] =	sst s0  }
0x9: {  	[smem:$0x3FAC] =	sst s1  }
0xa: {  	[smem:$0x3FAD] =	sst s2  }
0xb: {  	[smem:$0x3FAE] =	sst s3  }
0xc: {  	[smem:$0x3FAF] =	sst s4  }
0xd: {  	[smem:$0x3FB0] =	sst s5  }
0xe: {  	[smem:$0x3FB1] =	sst s6  }
0xf: {  	[smem:$0x3FB2] =	sst s7  }
0x10: {  	[smem:$0x3FB3] =	sst s8  }
0x11: {  	[smem:$0x3FB4] =	sst s9;
	s0 =	simm.s32 @!p0 $0x0  }
0x12: {  	s1 =	sld [smem:$0x3F9A];
	s0 =	simm.s32 @p0 $0x1  }
0x13: {  	[smem:$0x3FB5] =	sst s0;
	s0 =	simm.s32 @!p1 $0x0  }
0x14: {  	s2 =	sld [smem:$0x3F99];
	s0 =	simm.s32 @p1 $0x1  }
0x15: {  	[smem:$0x3FB6] =	sst s0;
	s0 =	simm.s32 @!p2 $0x0  }
0x16: {  	s3 =	sld [smem:$0x3FDB];
	s0 =	simm.s32 @p2 $0x1  }
0x17: {  	s4 =	simm.s32 $0x1BF5;
	[smem:$0x3FB8] =	sst s0  }
0x18: {  	s0 =	sld [smem:$0x3F9B];
	_ =	swait.ge [sflag:s4], $0x0  }
0x19: {  	s7 =	sld [smem:$0x3F9C]  }
0x1a: {  	s8 =	sadd.s32 $0xFFFFE003, lr  }
0x1b: {  	s9 =	sadd.s32 $0xFFFFFEF7, lr;
	s5 =	simm.s32 $0xFFFFFFFF;
	p2 =	slt.u32 s8, $0xFFFFF086  }
0x1c: {  	p1 =	slt.u32 s9, $0xF7A;
	s5 =	simm.s32 @!p2 $0x0  }
0x1d: {  	s5 =	simm.s32 @p1 $0x1;
	p0 =	seq.s32 s7, s2  }
0x1e: {  	s7 =	smul.u32 @!p0 $0xF7A, s2;
	p2 =	seq.s32 @!p0 s5, $0x0  }
0x1f: {  	s9 =	smul.u32 $0xF7A, s1;
	s8 =	simm.s32 @!p0 $0x1BF5;
	p2 =	por !p2, p0  }
0x20: {  	[sflag:s8] =	ssyncset.s32 @!p0 $0xFFFFF086;
	s6 =	sadd.s32 @!p0 s3, s7;
	s7 =	simm.s32 @!p0 $0x108  }
0x21: {  	s3 =	sadd.s32 s3, s9;
	s6 =	sadd.s32 @!p0 $0x88, s6;
	s7 =	simm.s32 @p2 $0x1082  }
0x22: {  	[simem:s7], [sflag:s8] =	dma.local @!p0 [hbm:s6], $0xF7A  }
0x23: {  	s9 =	sor.u32 $0xD0000000, s2;
	s6 =	simm.s32 $0x108;
	_ =	swait.ge @!p0 [sflag:s8], $0x0  }
0x24: {  	s3 =	sadd.s32 $0x88, s3;
	s6 =	simm.s32 @!p1 $0x1082;
	[sflag:s4] =	ssyncset.s32 $0xFFFFF086  }
0x25: {  	[simem:s6], [sflag:s4] =	dma.local [hbm:s3], $0xF7A  }
0x26: {  	[smem:$0x3F9C] =	sst s1;
	(tag) =	ssettag s2;
	_ =	strace s9  }
0x27: {  	s1 =	sld [smem:$0x3FAC]  }
0x28: {  	s2 =	sld [smem:$0x3FAD]  }
0x29: {  	s4 =	sld [smem:$0x3FAF]  }
0x2a: {  	p0 =	seq.s32 s5, $0x0;
	s5 =	sld [smem:$0x3FB0]  }
0x2b: {  	s6 =	sld [smem:$0x3FB1]  }
0x2c: {  	s7 =	sld [smem:$0x3FB2]  }
0x2d: {  	s3 =	simm.s32 $0x108;
	s8 =	sld [smem:$0x3FB3]  }
0x2e: {  	s3 =	simm.s32 @!p0 $0x1082;
	s9 =	sld [smem:$0x3FB4]  }
0x2f: {  	lr =	sadd.s32 s0, s3;
	s0 =	sld [smem:$0x3FAB]  }
0x30: {  	s3 =	sld [smem:$0x3FAE]  }
0x31: {  	[smem:$0x3FB7] =	sst s10  }
0x32: {  	s10 =	sld [smem:$0x3FB5];
	_ =	sdelay $0x3  }
0x33: {  	p0 =	seq.s32 s10, $0x1;
	s10 =	sld [smem:$0x3FB7];
	_ =	sdelay $0x3  }
0x34: {  	[smem:$0x3FB7] =	sst s10  }
0x35: {  	s10 =	sld [smem:$0x3FB6];
	_ =	sdelay $0x3  }
0x36: {  	p1 =	seq.s32 s10, $0x1;
	s10 =	sld [smem:$0x3FB7];
	_ =	sdelay $0x3  }
0x37: {  	[smem:$0x3FB7] =	sst s10  }
0x38: {  	s10 =	sld [smem:$0x3FB8]  }
0x39: {  	_ = 	snop;
	(pc) =	sbr.ind lr, $3  }
0x3a: {  	_ = 	snop  }
0x3b: {  	_ = 	snop  }
0x3c: {  	p2 =	seq.s32 s10, $0x1;
	s10 =	sld [smem:$0x3FB7]  }
0x3d: {  	_ =	shalt  }
0x3e: {  	_ =	shalt  }
0x3f: {  	_ =	shalt  }
0x40: {  	_ =	shalt  }
0x41: {  	_ =	shalt  }
0x42: {  	_ =	shalt  }
0x43: {  	_ =	shalt  }
0x44: {  	_ =	shalt  }
0x45: {  	_ =	shalt  }
0x46: {  	_ =	shalt  }
0x47: {  	_ =	shalt  }
0x48: {  	_ =	shalt  }
0x49: {  	_ =	shalt  }
0x4a: {  	_ =	shalt  }
0x4b: {  	_ =	shalt  }
0x4c: {  	_ =	shalt  }
0x4d: {  	_ =	shalt  }
0x4e: {  	_ =	shalt  }
0x4f: {  	_ =	shalt  }
0x50: {  	_ =	shalt  }
0x51: {  	_ =	shalt  }
0x52: {  	_ =	shalt  }
0x53: {  	_ =	shalt  }
0x54: {  	_ =	shalt  }
0x55: {  	_ =	shalt  }
0x56: {  	_ =	shalt  }
0x57: {  	_ =	shalt  }
0x58: {  	_ =	shalt  }
0x59: {  	_ =	shalt  }
0x5a: {  	_ =	shalt  }
0x5b: {  	_ =	shalt  }
0x5c: {  	_ =	shalt  }
0x5d: {  	_ =	shalt  }
0x5e: {  	_ =	shalt  }
0x5f: {  	_ =	shalt  }
0x60: {  	_ =	shalt  }
0x61: {  	_ =	shalt  }
0x62: {  	_ =	shalt  }
0x63: {  	_ =	shalt  }
0x64: {  	_ =	shalt  }
0x65: {  	_ =	shalt  }
0x66: {  	_ =	shalt  }
0x67: {  	_ =	shalt  }
0x68: {  	_ =	shalt  }
0x69: {  	_ =	shalt  }
0x6a: {  	_ =	shalt  }
0x6b: {  	_ =	shalt  }
0x6c: {  	_ =	shalt  }
0x6d: {  	_ =	shalt  }
0x6e: {  	_ =	shalt  }
0x6f: {  	_ =	shalt  }
0x70: {  	_ =	shalt  }
0x71: {  	_ =	shalt  }
0x72: {  	_ =	shalt  }
0x73: {  	_ =	shalt  }
0x74: {  	_ =	shalt  }
0x75: {  	_ =	shalt  }
0x76: {  	_ =	shalt  }
0x77: {  	_ =	shalt  }
0x78: {  	_ =	shalt  }
0x79: {  	_ =	shalt  }
0x7a: {  	_ =	shalt  }
0x7b: {  	_ =	shalt  }
0x7c: {  	_ =	shalt  }
0x7d: {  	_ =	shalt  }
0x7e: {  	_ =	shalt  }
0x7f: {  	_ =	shalt  }
0x80: {  	_ =	shalt  }
0x81: {  	_ =	shalt  }
0x82: {  	_ =	shalt  }
0x83: {  	_ =	shalt  }
0x84: {  	_ =	shalt  }
0x85: {  	_ =	shalt  }
0x86: {  	_ =	shalt  }
0x87: {  	_ =	shalt  }
.Lfunc_end0:
.L_simem_size_0:
called_computation_lowered:
.L_overlay_start_0:
0x88: {  	s2 =	sld [smem:$0x3FD9]  }
0x89: {  	s3 =	sld [smem:$0x3FFE];
	_ =	sdelay $0x1  }
0x8a: {  	s1 =	srdreg.scid  }
0x8b: {  	s0 =	sand.u32 $0x1, s1  }
0x8c: {  	s14 =	sshll.u32 s0, $0xA;
	s2 =	sadd.s32 s3, s2  }
0x8d: {  	s2 =	sadd.s32 s2, s14  }
0x8e: {  	[smem:$0x3FC3] =	sst s2  }
0x8f: {  	_ = 	snop  }
0x90: {  	s2 =	sld [smem:$0x3FD0];
	_ =	sdelay $0x2  }
0x91: {  	s15 =	simm.s32 $0xA;
	s4 =	simm.s32 $0x10  }
0x92: {  	[smem:s4], [sflag:s15] =	dma.local [hbm:s2], $0x1  }
0x93: {  	_ =	swait.eq [sflag:s15], $0x1  }
0x94: {  	[sflag:s15] =	ssyncset.done $0x0  }
0x95: {  	[sflag:s15] =	ssyncadd.s32 $0xFFFFFFFF  }
0x96: {  	s16 =	sld [smem:$0x10];
	(tm) =	ssettm $0x1  }
0x97: {  	s17 =	sld [smem:$0x3FFB];
	_ =	sdelay $0x3  }
0x98: {  	_ =	strace s17  }
0x99: {  	s3 =	sld [smem:$0x3FFC];
	_ =	sdelay $0x3  }
0x9a: {  	_ =	strace s3  }
0x9b: {  	s3 =	sld [smem:$0x3FFD];
	_ =	sdelay $0x3  }
0x9c: {  	_ =	strace s3  }
0x9d: {  	_ =	strace $0x8FFFFFFF  }
0x9e: {  	s18 =	sld [smem:$0x3FDB];
	_ =	sdelay $0x1  }
0x9f: {  	s19 =	simm.s32 $_scs_section_size  }
0xa0: {  	s5 =	simm.s32 $_size__tile_overlayer_lowered;
	s6 =	simm.s32 $_tile_overlayer_lowered  }
0xa1: {  	s22 =	simm.s32 $0x1BFF;
	s21 =	sshll.u32 s6, $0x1;
	s3 =	sadd.s32 s19, s18  }
0xa2: {  	s7 =	simm.s32 $0x0;
	s20 =	sshll.u32 s5, $0x1;
	s5 =	sadd.s32 s21, s3  }
0xa3: {  	[timem:s7], [sflag:s22] =	dma.local [hbm:s5], s20  }
0xa4: {  	_ =	swait.ge [sflag:s22], s20  }
0xa5: {  	s4 =	ssub.s32 $0x0, s20;
	[sflag:s22] =	ssyncset.done $0x0  }
0xa6: {  	[sflag:s22] =	ssyncadd.s32 s4;
	_ =	sdelay $0x1  }
0xa7: {  	s23 =	simm.s32 $0x1B8B  }
0xa8: {  	_ =	swait.ge [sflag:s23], $0x1  }
0xa9: {  	[sflag:s23] =	ssyncset.done $0x0  }
0xaa: {  	s25 =	simm.s32 $0x1B8E;
	s24 =	sld [smem:$0x3FFE];
	[sflag:s23] =	ssyncadd.s32 $0xFFFFFFFF  }
0xab: {  	s26 =	simm.s32 $execute0_lowered;
	[smem:$0x3FD2] =	sst s25  }
0xac: {  	s5 =	sshll.u32 s26, $0x1;
	_ =	strace $0x80000046;
	[dreg:$0x1] =	wrdreg $0xFFFFFFFF  }
0xad: {  	s28 =	simm.s32 $_size_execute0_lowered;
	s3 =	sadd.s32 s3, s5;
	[dreg:$0x0] =	wrdreg $0x0  }
0xae: {  	s5 =	sshll.u32 s28, $0x1;
	[dreg:$0x2] =	wrdreg s3  }
0xaf: {  	[dreg:$0x3] =	wrdreg s5  }
0xb0: {  	[dreg:$0x4] =	wrdreg $0xC0  }
0xb1: {  	_ =	task [dreg:s7], $0x5FFFF  }
0xb2: {  	[dreg:$0x1] =	wrdreg $0xFFFFFFFF  }
0xb3: {  	[dreg:$0x0] =	wrdreg $0x60  }
0xb4: {  	[dreg:$0x2] =	wrdreg s24  }
0xb5: {  	[dreg:$0x3] =	wrdreg s16  }
0xb6: {  	[dreg:$0x4] =	wrdreg $0x9  }
0xb7: {  	_ =	task.clear_ibuf [dreg:s7], $0x5FFFF;
	_ =	strace $0x90000046  }
0xb8: {  	s29 =	simm.s32 $0x9;
	_ =	strace $0x80000048  }
0xb9: {  	_ =	swait.ge [sflag:s29], $0x1  }
0xba: {  	[sflag:s29] =	ssyncadd.s32 $0xFFFFFFFF  }
0xbb: {  	_ =	strace $0x90000048  }
0xbc: {  	_ =	sfence  }
0xbd: {  	s30 =	sld [smem:$0x0];
	_ =	sdelay $0x2  }
0xbe: {  	s31 =	sshll.u32 s1, $0xD;
	s1 =	sshrl.u32 s1, $0x2  }
0xbf: {  	s3 =	sand.u32 $0x4000, s31;
	s1 =	sadd.s32 s1, s30  }
0xc0: {  	s0 =	sor.u32 s3, s0;
	s1 =	sshll.u32 s1, $0x11  }
0xc1: {  	s0 =	sor.u32 s1, s0  }
0xc2: {  	s0 =	sadd.s32 $0x8F2B, s0  }
0xc3: {  	[sflag:s0] =	ssyncadd.remote.s32 $0x1  }
0xc4: {  	_ =	sfence.sel $0xFFFF  }
0xc5: {  	[dreg:$0x0] =	wrdreg $0xFFFFFFFF;
	(pc) =	sbr.abs _section_cstart, $3  }
0xc6: {  	[dreg:$0x1] =	wrdreg $0xFFFFFFFF  }
0xc7: {  	_ =	task.clear_ibuf [dreg:s7], $0x2FFFF;
	_ =	strace $0x9FFFFFFF  }
0xc8: {  	(tm) =	ssettm $0x7FFFFFFF  }
0xc9: {  	_ =	shalt  }
tec
execute0_lowered:
.L_overlay_start_1:
0x0: {  	(tag) =	ssettag $0x1  }
0x1: {  	s4 =	rddreg [dreg:$0x0]  }
0x2: {  	s6 =	rddreg [dreg:$0x1]  }
0x3: {  	s0 =	rddreg [dreg:$0x2];
	s2 =	simm.s32 $0x0;
	s1 =	stileid.u32  }
0x4: {  	s3 =	srdreg.scid;
	[smem:$0x7FF] =	sst s2  }
0x5: {  	s5 =	sshll.u32 s1, $0x10;
	s7 =	sand.u32 $0x1, s3;
	s3 =	sadd.s32 $0x1C00, s4  }
0x6: {  	s9 =	sshll.u32 s1, $0xC;
	_ =	strace $0x80000047;
	s5 =	sadd.s32 s5, s4  }
0x7: {  	s29 =	ssub.s32 $0x2, s7;
	s10 =	sshll.u32 s7, $0xB;
	s7 =	sshll.u32 s7, $0xF  }
0x8: {  	s8 =	sshrl.u32 s29, $0x1;
	s30 =	sor.u32 s10, s9;
	s5 =	sadd.s32 s7, s5  }
0x9: {  	s7 =	simm.s32 $0x2;
	s9 =	simm.s32 $0x1;
	s10 =	simm.s32 $0x0  }
0xa: {  	s4 =	ssub.s32 s29, s8;
	s31 =	sshrl.u32 s30, $0x3;
	s5 =	sadd.s32 $0x41C00, s5  }
0xb: {  	s8 =	simm.s32 $0x80;
	s4 =	smax.u32 s4, $0x1;
	s6 =	sadd.s32 s31, s6  }
.LBB2_1:
0xc: {  	s11 =	sadd.s32 $0x0, s6  }
0xd: {  	[tilespmem:s2], [sflag:$0x2] =	stream.linear.gather [hbm4b:s11+s2], $0x80, $0x38;
	[tilespmem:$0x4080] =	vst v63  }
0xe: {  	_ =	swait.ge [sflag:s7], $0x80  }
0xf: {  	[sflag:s7] =	ssyncset.done $0x0  }
0x10: {  	[sflag:s7] =	ssyncadd.s32 $0xFFFFFF80  }
0x11: {  	[tilespmem:s8], [sflag:$0x1] =	stream.indirect.gather [hbm4b:s3+s8], $0x80, s2, s8, $0xb8;
	[tilespmem:$0x4080] =	vst v63  }
0x12: {  	_ =	swait.ge [sflag:s9], $0x4000  }
0x13: {  	[sflag:s9] =	ssyncset.done $0x0  }
0x14: {  	[sflag:s9] =	ssyncadd.s32 $0xFFFFC000  }
0x15: {  	[hbm4b:s5+s2] =	stream.linear.scatter [tilespmem:s8], [sflag:$0x2], $0x4000, $0x38;
	[tilespmem:$0x4080] =	vst v63  }
0x16: {  	s12 =	simm.s32 $0x10;
	_ =	swait.ge [sflag:s7], $0x4000  }
0x17: {  	s13 =	simm.s32 $0x20;
	s11 =	sadd.s32 $0x800, s5;
	[sflag:s7] =	ssyncset.done $0x0  }
.LBB2_2:
0x18: {  	s14 =	sadd.s32 s12, s6  }
0x19: {  	[sflag:s7] =	ssyncadd.s32 $0xFFFFC000;
	s12 =	smov.u32 s13;
	s15 =	sadd.s32 $0x10, s13  }
0x1a: {  	[tilespmem:s2], [sflag:$0x2] =	stream.linear.gather [hbm4b:s14+s2], $0x80, $0x38;
	[tilespmem:$0x4080] =	vst v63  }
0x1b: {  	p0 =	sne.s32 s13, $0xF0;
	_ =	swait.ge [sflag:s7], $0x80  }
0x1c: {  	[sflag:s7] =	ssyncset.done $0x0  }
0x1d: {  	[sflag:s7] =	ssyncadd.s32 $0xFFFFFF80  }
0x1e: {  	[tilespmem:s8], [sflag:$0x1] =	stream.indirect.gather [hbm4b:s3+s8], $0x80, s2, s8, $0xb8;
	[tilespmem:$0x4080] =	vst v63  }
0x1f: {  	_ =	swait.ge [sflag:s9], $0x4000  }
.Ltmp0:
0x20: {  	[sflag:s9] =	ssyncset.done $0x0;
	(pc) =	sbr.rel @p0 .LBB2_2-.Ltmp0, $4  }
0x21: {  	[sflag:s9] =	ssyncadd.s32 $0xFFFFC000  }
0x22: {  	[hbm4b:s11+s2] =	stream.linear.scatter [tilespmem:s8], [sflag:$0x2], $0x4000, $0x38;
	[tilespmem:$0x4080] =	vst v63  }
0x23: {  	_ =	swait.ge [sflag:s7], $0x4000  }
0x24: {  	s13 =	smov.u32 s15;
	s11 =	sadd.s32 $0x800, s11;
	[sflag:s7] =	ssyncset.done $0x0  }
0x25: {  	s12 =	sadd.s32 s12, s6;
	[sflag:s7] =	ssyncadd.s32 $0xFFFFC000  }
0x26: {  	[tilespmem:s2], [sflag:$0x2] =	stream.linear.gather [hbm4b:s12+s2], $0x80, $0x38;
	[tilespmem:$0x4080] =	vst v63  }
0x27: {  	_ =	swait.ge [sflag:s7], $0x80  }
0x28: {  	[sflag:s7] =	ssyncset.done $0x0  }
0x29: {  	[sflag:s7] =	ssyncadd.s32 $0xFFFFFF80  }
0x2a: {  	[tilespmem:s8], [sflag:$0x1] =	stream.indirect.gather [hbm4b:s3+s8], $0x80, s2, s8, $0xb8;
	[tilespmem:$0x4080] =	vst v63  }
0x2b: {  	s10 =	sadd.s32 $0x1, s10;
	_ =	swait.ge [sflag:s9], $0x4000  }
0x2c: {  	p0 =	sne.s32 s10, s4;
	[sflag:s9] =	ssyncset.done $0x0  }
.Ltmp1:
0x2d: {  	[sflag:s9] =	ssyncadd.s32 $0xFFFFC000;
	(pc) =	sbr.rel @p0 .LBB2_1-.Ltmp1, $4  }
0x2e: {  	[hbm4b:s11+s2] =	stream.linear.scatter [tilespmem:s8], [sflag:$0x2], $0x4000, $0x38;
	[tilespmem:$0x4080] =	vst v63  }
0x2f: {  	_ =	swait.ge [sflag:s7], $0x4000  }
0x30: {  	[sflag:s7] =	ssyncset.done $0x0  }
0x31: {  	[sflag:s7] =	ssyncadd.s32 $0xFFFFC000  }
0x32: {  	_ =	sfence.sel $0x180000  }
0x33: {  	[bflag:$0x0] =	sbarrier.arrive $0xFFFF  }
0x34: {  	p0 =	sne.s32 s1, $0x0;
	_ =	strace $0x90000047  }
0x35: {  	s0 =	sadd.s32 @!p0 $0x100000, s0;
	[bflag:$0x2] =	sbarrier.arrive $0xFFFF  }
0x36: {  	[sflag:s0] =	ssyncadd.tile.s32 @!p0 $0x1;
	_ =	shalt  }
.Lfunc_end2:
_tile_overlayer_lowered:
.L_overlay_start_2:
0x37: {  	(tag) =	ssettag $0x2  }
0x38: {  	s0 =	rddreg [dreg:$0x0];
	s2 =	stileid.u32  }
0x39: {  	s1 =	rddreg [dreg:$0x1];
	p0 =	sne.s32 s2, $0x0  }
0x3a: {  	s3 =	rddreg [dreg:$0x2];
	[bflag:$0x3] =	sbarrier.arrive $0xFFFF;
	s2 =	simm.s32 @!p0 $0x1C02  }
0x3b: {  	[timem:s3], [sflag:s2] =	dma.local @!p0 [hbm:s0], s1  }
0x3c: {  	s0 =	simm.s32 @!p0 $0x2  }
0x3d: {  	_ =	swait.ge @!p0 [sflag:s0], s1  }
0x3e: {  	s1 =	ssub.s32 @!p0 $0x0, s1;
	[sflag:s0] =	ssyncset.done @!p0 $0x0  }
0x3f: {  	[sflag:s0] =	ssyncadd.s32 @!p0 s1  }
0x40: {  	[bflag:$0x3] =	sbarrier.arrive $0xFFFF  }
0x41: {  	_ =	shalt  }

</sc_bundles>
